<compile_context>
chip_gen: v7x
topology: tpu7x:2x2x1
jax: 0.10.2.dev20260603
libtpu: 0.0.44.dev20260713+nightly
codegen_flags: <defaults>
</compile_context>

<pallas_src>
import functools

import jax
import jax.numpy as jnp
from jax import lax
from jax.experimental import pallas as pl
from jax.experimental.pallas import tpu as pltpu
from jax.experimental.pallas import tpu_sc as plsc

_NUM_EMBEDDINGS = 1000000
_D = 32
_F = 26
_B = 4096
_TOTAL = _F * _B

_NC = 2
_NS = 16
_L = 16
_NW = _NC * _NS
_B_PER_W = _TOTAL // _NW


def _make_gather():
    mesh = plsc.VectorSubcoreMesh(core_axis_name="c", subcore_axis_name="s")

    @functools.partial(
        pl.kernel,
        mesh=mesh,
        out_type=jax.ShapeDtypeStruct((_TOTAL, _D), jnp.float32),
        scratch_types=[
            pltpu.VMEM((_B_PER_W,), jnp.int32),
            pltpu.VMEM((_B_PER_W, _D), jnp.float32),
            pltpu.SemaphoreType.DMA,
        ],
        compiler_params=pltpu.CompilerParams(use_tc_tiling_on_sc=False),
    )
    def gather_kernel(values_hbm, table_hbm, out_hbm, idx_v, rows_v, sem):
        wid = lax.axis_index("s") * _NC + lax.axis_index("c")
        base = wid * _B_PER_W
        pltpu.sync_copy(values_hbm.at[pl.ds(base, _B_PER_W)], idx_v)

        def remap(i, carry):
            sl = pl.ds(i * _L, _L)
            idx_v[sl] = lax.rem(idx_v[sl], jnp.int32(_NUM_EMBEDDINGS))
            return carry

        lax.fori_loop(0, _B_PER_W // _L, remap, 0, unroll=8)

        pltpu.async_copy(table_hbm.at[idx_v], rows_v, sem).wait()
        pltpu.sync_copy(rows_v, out_hbm.at[pl.ds(base, _B_PER_W)])

    return gather_kernel


_gather = _make_gather()


def kernel(values, lengths, embedding_table):
    del lengths
    vals = values.astype(jnp.int32)
    out = _gather(vals, embedding_table)
    return out.reshape(_F, _B, _D)

# --- scband reference (transcript-rebuilt; emitter-appended) ---
"""Pipeline reference for scband-mc-embedding-collection-adapter-6047313953062 (READ-ONLY COPY).

The authoritative reference and input builder live on the scoring server;
editing this copy changes nothing except your own understanding.
"""

import jax, jax.numpy as jnp
import numpy as np

NUM_EMBEDDINGS = 1000000  # zch_size per table config
EMBED_DIM = 32
NUM_FEATURES = 26
BATCH = 4096
INPUT_HASH_SIZE = 100000000


def setup_inputs(seed: int = 0) -> dict:
    key = jax.random.key(seed)
    k1, k2 = jax.random.split(key)
    # KJT values: flat ids in the raw input hash space [0, INPUT_HASH_SIZE)
    values = jax.random.randint(k1, (NUM_FEATURES * BATCH,), 0, INPUT_HASH_SIZE)
    # KJT lengths: one id per (feature, sample) -> L=1 jagged layout
    lengths = jnp.ones((NUM_FEATURES * BATCH,), dtype=jnp.int32)
    # shared embedding table (EmbeddingCollection weight), zch_size x dim
    embedding_table = jax.random.normal(k2, (NUM_EMBEDDINGS, EMBED_DIM), dtype=jnp.float32) * 0.02
    return {"values": values, "lengths": lengths, "embedding_table": embedding_table}


def reference(values, lengths, embedding_table):
    # ManagedCollisionCollection (MCHManagedCollisionModule): remap raw ids from the
    # large input_hash_size space into the zch table id space. Inference-style remap
    # is a deterministic hash into [0, zch_size); training additionally updates
    # frequency/eviction state which does not change the lookup math.
    remapped_ids = jnp.mod(values, NUM_EMBEDDINGS)
    # EmbeddingCollection lookup on remapped ids (SparseCore gather)
    emb = jnp.take(embedding_table, remapped_ids, axis=0)
    # reconstruct Dict[str, JaggedTensor] layout: per-feature [B, L=1, D] -> [F, B, D]
    offsets = jnp.cumsum(lengths)  # jagged offsets (L=1 everywhere here)
    out = emb.reshape(NUM_FEATURES, BATCH, EMBED_DIM)
    return out

if __name__ == "__main__":
    import jax
    _d = setup_inputs()
    print(jax.jit(kernel)(*tuple(_d.values())))

</pallas_src>

<mosaic_0001>
#map = affine_map<(d0, d1) -> (0)>
#map1 = affine_map<(d0, d1) -> (0, 0)>
module attributes {stable_mosaic.version = 14 : i64} {
  func.func @gather_kernel(%arg0: i32, %arg1: i32, %arg2: memref<106496xi32, #tpu.memory_space<hbm>>, %arg3: memref<1000000x32xf32, #tpu.memory_space<hbm>>, %arg4: memref<106496x32xf32, #tpu.memory_space<hbm>>, %arg5: memref<3328xi32, #tpu.memory_space<vmem>>, %arg6: memref<3328x32xf32, #tpu.memory_space<vmem>>, %arg7: memref<!tpu.dma_semaphore, #tpu.memory_space<semaphore_mem>>) attributes {dimension_semantics = [#tpu.dimension_semantics<core_parallel>, #tpu.dimension_semantics<subcore_parallel>], iteration_bounds = array<i64: 2, 16>, scalar_prefetch = 0 : i64, scratch_operands = 3 : i64, tpu.core_type = #tpu.core_type<sc_vector_subcore>, window_params = [{transform_indices = #map}, {transform_indices = #map1}, {transform_indices = #map1}]} {
    %mul3A = arith.constant 2 : i32
    %mul3A_0 = arith.muli %arg1, %mul3A : i32
    %add3A = arith.addi %mul3A_0, %arg0 : i32
    %mul3A_1 = arith.constant 3328 : i32
    %mul3A_2 = arith.muli %add3A, %mul3A_1 : i32
    "tpu.region"() ({
      %run_scoped3A = tpu.sem_alloc : memref<!tpu.dma_semaphore, #tpu.memory_space<semaphore_mem>>
      %dma_start3A_12 = tpu.memref_slice %arg2[%mul3A_2] : memref<106496xi32, #tpu.memory_space<hbm>> -> memref<3328xi32, #tpu.memory_space<hbm>>
      %dma_start3A_13 = tpu.memref_slice %arg2[%mul3A_2] : memref<106496xi32, #tpu.memory_space<hbm>> -> memref<3328xi32, #tpu.memory_space<hbm>>
      tpu.enqueue_dma source(%dma_start3A_13 : memref<3328xi32, #tpu.memory_space<hbm>>) target(%arg5 : memref<3328xi32, #tpu.memory_space<vmem>>) target_semaphore(%run_scoped3A : memref<!tpu.dma_semaphore, #tpu.memory_space<semaphore_mem>>)
      %dma_wait3A_14 = tpu.memref_slice %arg2[%mul3A_2] : memref<106496xi32, #tpu.memory_space<hbm>> -> memref<3328xi32, #tpu.memory_space<hbm>>
      %dma_wait3A_15 = tpu.memref_slice %arg2[%mul3A_2] : memref<106496xi32, #tpu.memory_space<hbm>> -> memref<3328xi32, #tpu.memory_space<hbm>>
      tpu.wait_dma2 semaphore(%run_scoped3A : memref<!tpu.dma_semaphore, #tpu.memory_space<semaphore_mem>>) src(%dma_wait3A_15 : memref<3328xi32, #tpu.memory_space<hbm>>) dst(%arg5 : memref<3328xi32, #tpu.memory_space<vmem>>)
      tpu.yield
    }) : () -> ()
    %scan3A = arith.constant 0 : i32
    %scan3A_3 = arith.constant 0 : i32
    %scan3A_4 = arith.constant 208 : i32
    %scan3A_5 = arith.addi %scan3A_3, %scan3A_4 : i32
    %scan3A_6 = arith.constant 8 : i32
    scf.for %scan3A_12 = %scan3A_3 to %scan3A_5 step %scan3A_6  : i32 {
      %mul3A_13 = arith.constant 16 : i32
      %mul3A_14 = arith.muli %scan3A_12, %mul3A_13 : i32
      %get3A = arith.index_cast %mul3A_14 : i32 to index
      %get3A_15 = tpu.vector_load %arg5[%get3A] {strides = array<i32>} : memref<3328xi32, #tpu.memory_space<vmem>>, vector<16xi32>,
      %get3A_16 = vector.shape_cast %get3A_15 : vector<16xi32> to vector<16xi32>
      %rem3A = arith.constant 1000000 : i32
      %rem3A_17 = vector.broadcast %rem3A : i32 to vector<16xi32>
      %rem3A_18 = arith.remsi %get3A_16, %rem3A_17 : vector<16xi32>
      %swap3A = arith.index_cast %mul3A_14 : i32 to index
      %swap3A_19 = tpu.vector_load %arg5[%swap3A] {strides = array<i32>} : memref<3328xi32, #tpu.memory_space<vmem>>, vector<16xi32>,
      %swap3A_20 = vector.shape_cast %swap3A_19 : vector<16xi32> to vector<16xi32>
      %swap3A_21 = vector.shape_cast %rem3A_18 : vector<16xi32> to vector<16xi32>
      tpu.vector_store %arg5[%swap3A], %swap3A_21 {strides = array<i32>} : memref<3328xi32, #tpu.memory_space<vmem>>, vector<16xi32>,
      %scan3A_22 = arith.constant 1 : i32
      %scan3A_23 = arith.addi %scan3A_12, %scan3A_22 : i32
      %mul3A_24 = arith.constant 16 : i32
      %mul3A_25 = arith.muli %scan3A_23, %mul3A_24 : i32
      %get3A_26 = arith.index_cast %mul3A_25 : i32 to index
      %get3A_27 = tpu.vector_load %arg5[%get3A_26] {strides = array<i32>} : memref<3328xi32, #tpu.memory_space<vmem>>, vector<16xi32>,
      %get3A_28 = vector.shape_cast %get3A_27 : vector<16xi32> to vector<16xi32>
      %rem3A_29 = arith.constant 1000000 : i32
      %rem3A_30 = vector.broadcast %rem3A_29 : i32 to vector<16xi32>
      %rem3A_31 = arith.remsi %get3A_28, %rem3A_30 : vector<16xi32>
      %swap3A_32 = arith.index_cast %mul3A_25 : i32 to index
      %swap3A_33 = tpu.vector_load %arg5[%swap3A_32] {strides = array<i32>} : memref<3328xi32, #tpu.memory_space<vmem>>, vector<16xi32>,
      %swap3A_34 = vector.shape_cast %swap3A_33 : vector<16xi32> to vector<16xi32>
      %swap3A_35 = vector.shape_cast %rem3A_31 : vector<16xi32> to vector<16xi32>
      tpu.vector_store %arg5[%swap3A_32], %swap3A_35 {strides = array<i32>} : memref<3328xi32, #tpu.memory_space<vmem>>, vector<16xi32>,
      %scan3A_36 = arith.constant 2 : i32
      %scan3A_37 = arith.addi %scan3A_12, %scan3A_36 : i32
      %mul3A_38 = arith.constant 16 : i32
      %mul3A_39 = arith.muli %scan3A_37, %mul3A_38 : i32
      %get3A_40 = arith.index_cast %mul3A_39 : i32 to index
      %get3A_41 = tpu.vector_load %arg5[%get3A_40] {strides = array<i32>} : memref<3328xi32, #tpu.memory_space<vmem>>, vector<16xi32>,
      %get3A_42 = vector.shape_cast %get3A_41 : vector<16xi32> to vector<16xi32>
      %rem3A_43 = arith.constant 1000000 : i32
      %rem3A_44 = vector.broadcast %rem3A_43 : i32 to vector<16xi32>
      %rem3A_45 = arith.remsi %get3A_42, %rem3A_44 : vector<16xi32>
      %swap3A_46 = arith.index_cast %mul3A_39 : i32 to index
      %swap3A_47 = tpu.vector_load %arg5[%swap3A_46] {strides = array<i32>} : memref<3328xi32, #tpu.memory_space<vmem>>, vector<16xi32>,
      %swap3A_48 = vector.shape_cast %swap3A_47 : vector<16xi32> to vector<16xi32>
      %swap3A_49 = vector.shape_cast %rem3A_45 : vector<16xi32> to vector<16xi32>
      tpu.vector_store %arg5[%swap3A_46], %swap3A_49 {strides = array<i32>} : memref<3328xi32, #tpu.memory_space<vmem>>, vector<16xi32>,
      %scan3A_50 = arith.constant 3 : i32
      %scan3A_51 = arith.addi %scan3A_12, %scan3A_50 : i32
      %mul3A_52 = arith.constant 16 : i32
      %mul3A_53 = arith.muli %scan3A_51, %mul3A_52 : i32
      %get3A_54 = arith.index_cast %mul3A_53 : i32 to index
      %get3A_55 = tpu.vector_load %arg5[%get3A_54] {strides = array<i32>} : memref<3328xi32, #tpu.memory_space<vmem>>, vector<16xi32>,
      %get3A_56 = vector.shape_cast %get3A_55 : vector<16xi32> to vector<16xi32>
      %rem3A_57 = arith.constant 1000000 : i32
      %rem3A_58 = vector.broadcast %rem3A_57 : i32 to vector<16xi32>
      %rem3A_59 = arith.remsi %get3A_56, %rem3A_58 : vector<16xi32>
      %swap3A_60 = arith.index_cast %mul3A_53 : i32 to index
      %swap3A_61 = tpu.vector_load %arg5[%swap3A_60] {strides = array<i32>} : memref<3328xi32, #tpu.memory_space<vmem>>, vector<16xi32>,
      %swap3A_62 = vector.shape_cast %swap3A_61 : vector<16xi32> to vector<16xi32>
      %swap3A_63 = vector.shape_cast %rem3A_59 : vector<16xi32> to vector<16xi32>
      tpu.vector_store %arg5[%swap3A_60], %swap3A_63 {strides = array<i32>} : memref<3328xi32, #tpu.memory_space<vmem>>, vector<16xi32>,
      %scan3A_64 = arith.constant 4 : i32
      %scan3A_65 = arith.addi %scan3A_12, %scan3A_64 : i32
      %mul3A_66 = arith.constant 16 : i32
      %mul3A_67 = arith.muli %scan3A_65, %mul3A_66 : i32
      %get3A_68 = arith.index_cast %mul3A_67 : i32 to index
      %get3A_69 = tpu.vector_load %arg5[%get3A_68] {strides = array<i32>} : memref<3328xi32, #tpu.memory_space<vmem>>, vector<16xi32>,
      %get3A_70 = vector.shape_cast %get3A_69 : vector<16xi32> to vector<16xi32>
      %rem3A_71 = arith.constant 1000000 : i32
      %rem3A_72 = vector.broadcast %rem3A_71 : i32 to vector<16xi32>
      %rem3A_73 = arith.remsi %get3A_70, %rem3A_72 : vector<16xi32>
      %swap3A_74 = arith.index_cast %mul3A_67 : i32 to index
      %swap3A_75 = tpu.vector_load %arg5[%swap3A_74] {strides = array<i32>} : memref<3328xi32, #tpu.memory_space<vmem>>, vector<16xi32>,
      %swap3A_76 = vector.shape_cast %swap3A_75 : vector<16xi32> to vector<16xi32>
      %swap3A_77 = vector.shape_cast %rem3A_73 : vector<16xi32> to vector<16xi32>
      tpu.vector_store %arg5[%swap3A_74], %swap3A_77 {strides = array<i32>} : memref<3328xi32, #tpu.memory_space<vmem>>, vector<16xi32>,
      %scan3A_78 = arith.constant 5 : i32
      %scan3A_79 = arith.addi %scan3A_12, %scan3A_78 : i32
      %mul3A_80 = arith.constant 16 : i32
      %mul3A_81 = arith.muli %scan3A_79, %mul3A_80 : i32
      %get3A_82 = arith.index_cast %mul3A_81 : i32 to index
      %get3A_83 = tpu.vector_load %arg5[%get3A_82] {strides = array<i32>} : memref<3328xi32, #tpu.memory_space<vmem>>, vector<16xi32>,
      %get3A_84 = vector.shape_cast %get3A_83 : vector<16xi32> to vector<16xi32>
      %rem3A_85 = arith.constant 1000000 : i32
      %rem3A_86 = vector.broadcast %rem3A_85 : i32 to vector<16xi32>
      %rem3A_87 = arith.remsi %get3A_84, %rem3A_86 : vector<16xi32>
      %swap3A_88 = arith.index_cast %mul3A_81 : i32 to index
      %swap3A_89 = tpu.vector_load %arg5[%swap3A_88] {strides = array<i32>} : memref<3328xi32, #tpu.memory_space<vmem>>, vector<16xi32>,
      %swap3A_90 = vector.shape_cast %swap3A_89 : vector<16xi32> to vector<16xi32>
      %swap3A_91 = vector.shape_cast %rem3A_87 : vector<16xi32> to vector<16xi32>
      tpu.vector_store %arg5[%swap3A_88], %swap3A_91 {strides = array<i32>} : memref<3328xi32, #tpu.memory_space<vmem>>, vector<16xi32>,
      %scan3A_92 = arith.constant 6 : i32
      %scan3A_93 = arith.addi %scan3A_12, %scan3A_92 : i32
      %mul3A_94 = arith.constant 16 : i32
      %mul3A_95 = arith.muli %scan3A_93, %mul3A_94 : i32
      %get3A_96 = arith.index_cast %mul3A_95 : i32 to index
      %get3A_97 = tpu.vector_load %arg5[%get3A_96] {strides = array<i32>} : memref<3328xi32, #tpu.memory_space<vmem>>, vector<16xi32>,
      %get3A_98 = vector.shape_cast %get3A_97 : vector<16xi32> to vector<16xi32>
      %rem3A_99 = arith.constant 1000000 : i32
      %rem3A_100 = vector.broadcast %rem3A_99 : i32 to vector<16xi32>
      %rem3A_101 = arith.remsi %get3A_98, %rem3A_100 : vector<16xi32>
      %swap3A_102 = arith.index_cast %mul3A_95 : i32 to index
      %swap3A_103 = tpu.vector_load %arg5[%swap3A_102] {strides = array<i32>} : memref<3328xi32, #tpu.memory_space<vmem>>, vector<16xi32>,
      %swap3A_104 = vector.shape_cast %swap3A_103 : vector<16xi32> to vector<16xi32>
      %swap3A_105 = vector.shape_cast %rem3A_101 : vector<16xi32> to vector<16xi32>
      tpu.vector_store %arg5[%swap3A_102], %swap3A_105 {strides = array<i32>} : memref<3328xi32, #tpu.memory_space<vmem>>, vector<16xi32>,
      %scan3A_106 = arith.constant 7 : i32
      %scan3A_107 = arith.addi %scan3A_12, %scan3A_106 : i32
      %mul3A_108 = arith.constant 16 : i32
      %mul3A_109 = arith.muli %scan3A_107, %mul3A_108 : i32
      %get3A_110 = arith.index_cast %mul3A_109 : i32 to index
      %get3A_111 = tpu.vector_load %arg5[%get3A_110] {strides = array<i32>} : memref<3328xi32, #tpu.memory_space<vmem>>, vector<16xi32>,
      %get3A_112 = vector.shape_cast %get3A_111 : vector<16xi32> to vector<16xi32>
      %rem3A_113 = arith.constant 1000000 : i32
      %rem3A_114 = vector.broadcast %rem3A_113 : i32 to vector<16xi32>
      %rem3A_115 = arith.remsi %get3A_112, %rem3A_114 : vector<16xi32>
      %swap3A_116 = arith.index_cast %mul3A_109 : i32 to index
      %swap3A_117 = tpu.vector_load %arg5[%swap3A_116] {strides = array<i32>} : memref<3328xi32, #tpu.memory_space<vmem>>, vector<16xi32>,
      %swap3A_118 = vector.shape_cast %swap3A_117 : vector<16xi32> to vector<16xi32>
      %swap3A_119 = vector.shape_cast %rem3A_115 : vector<16xi32> to vector<16xi32>
      tpu.vector_store %arg5[%swap3A_116], %swap3A_119 {strides = array<i32>} : memref<3328xi32, #tpu.memory_space<vmem>>, vector<16xi32>,
    }
    %scan3A_7 = arith.constant 208 : i32
    %dma_start3A = arith.constant 0 : i32
    %dma_start3A_8 = arith.constant 0 : i32
    %dma_start3A_9 = tpu.memref_slice %arg3[%dma_start3A, %dma_start3A_8] : memref<1000000x32xf32, #tpu.memory_space<hbm>> -> memref<1000000x32xf32, #tpu.memory_space<hbm>>
    tpu.enqueue_indirect_dma source(%dma_start3A_9 : memref<1000000x32xf32, #tpu.memory_space<hbm>>) target(%arg6 : memref<3328x32xf32, #tpu.memory_space<vmem>>) offsets(%arg5 : memref<3328xi32, #tpu.memory_space<vmem>>) semaphore(%arg7 : memref<!tpu.dma_semaphore, #tpu.memory_space<semaphore_mem>>)
    %dma_wait3A = arith.constant 0 : i32
    %dma_wait3A_10 = arith.constant 0 : i32
    %dma_wait3A_11 = tpu.memref_slice %arg3[%dma_wait3A, %dma_wait3A_10] : memref<1000000x32xf32, #tpu.memory_space<hbm>> -> memref<1000000x32xf32, #tpu.memory_space<hbm>>
    tpu.wait_indirect_dma semaphore(%arg7 : memref<!tpu.dma_semaphore, #tpu.memory_space<semaphore_mem>>) src(%dma_wait3A_11 : memref<1000000x32xf32, #tpu.memory_space<hbm>>) dst(%arg6 : memref<3328x32xf32, #tpu.memory_space<vmem>>)
    "tpu.region"() ({
      %run_scoped3A = tpu.sem_alloc : memref<!tpu.dma_semaphore, #tpu.memory_space<semaphore_mem>>
      %dma_start3A_12 = arith.constant 0 : i32
      %dma_start3A_13 = tpu.memref_slice %arg4[%mul3A_2, %dma_start3A_12] : memref<106496x32xf32, #tpu.memory_space<hbm>> -> memref<3328x32xf32, #tpu.memory_space<hbm>>
      %dma_start3A_14 = arith.constant 0 : i32
      %dma_start3A_15 = tpu.memref_slice %arg4[%mul3A_2, %dma_start3A_14] : memref<106496x32xf32, #tpu.memory_space<hbm>> -> memref<3328x32xf32, #tpu.memory_space<hbm>>
      tpu.enqueue_dma source(%arg6 : memref<3328x32xf32, #tpu.memory_space<vmem>>) target(%dma_start3A_15 : memref<3328x32xf32, #tpu.memory_space<hbm>>) target_semaphore(%run_scoped3A : memref<!tpu.dma_semaphore, #tpu.memory_space<semaphore_mem>>)
      %dma_wait3A_16 = arith.constant 0 : i32
      %dma_wait3A_17 = tpu.memref_slice %arg4[%mul3A_2, %dma_wait3A_16] : memref<106496x32xf32, #tpu.memory_space<hbm>> -> memref<3328x32xf32, #tpu.memory_space<hbm>>
      %dma_wait3A_18 = arith.constant 0 : i32
      %dma_wait3A_19 = tpu.memref_slice %arg4[%mul3A_2, %dma_wait3A_18] : memref<106496x32xf32, #tpu.memory_space<hbm>> -> memref<3328x32xf32, #tpu.memory_space<hbm>>
      tpu.wait_dma2 semaphore(%run_scoped3A : memref<!tpu.dma_semaphore, #tpu.memory_space<semaphore_mem>>) src(%arg6 : memref<3328x32xf32, #tpu.memory_space<vmem>>) dst(%dma_wait3A_19 : memref<3328x32xf32, #tpu.memory_space<hbm>>)
      tpu.yield
    }) : () -> ()
    return
  }
}

</mosaic_0001>

<sc_bundles>
// kernel: kernel.3.cloned.1.call-start
scs
__scs_entry_jumppad:
0x0: {  	(pc) =	sbr.rel $0x88, $3  }
0x1: {  	(tag) =	ssettag $0x0;
	lr =	simm.s32 $0x1  }
0x2: {  	[smem:$0x3F9F] =	sst lr;
	_ =	strace $0xD0000000  }
0x3: {  	_ = 	snop  }
0x4: {  	_ = 	snop  }
0x5: {  	_ = 	snop  }
0x6: {  	_ = 	snop  }
0x7: {  	_ = 	snop  }
__scs_overlays_trampoline_lowered:
0x8: {  	[smem:$0x3FAE] =	sst s0  }
0x9: {  	[smem:$0x3FAF] =	sst s1  }
0xa: {  	[smem:$0x3FB0] =	sst s2  }
0xb: {  	[smem:$0x3FB1] =	sst s3  }
0xc: {  	[smem:$0x3FB2] =	sst s4  }
0xd: {  	[smem:$0x3FB3] =	sst s5  }
0xe: {  	[smem:$0x3FB4] =	sst s6  }
0xf: {  	[smem:$0x3FB5] =	sst s7  }
0x10: {  	[smem:$0x3FB6] =	sst s8  }
0x11: {  	[smem:$0x3FB7] =	sst s9;
	s0 =	simm.s32 @!p0 $0x0  }
0x12: {  	s1 =	sld [smem:$0x3F9D];
	s0 =	simm.s32 @p0 $0x1  }
0x13: {  	[smem:$0x3FB8] =	sst s0;
	s0 =	simm.s32 @!p1 $0x0  }
0x14: {  	s2 =	sld [smem:$0x3F9C];
	s0 =	simm.s32 @p1 $0x1  }
0x15: {  	[smem:$0x3FB9] =	sst s0;
	s0 =	simm.s32 @!p2 $0x0  }
0x16: {  	s3 =	sld [smem:$0x3FDB];
	s0 =	simm.s32 @p2 $0x1  }
0x17: {  	s4 =	simm.s32 $0x1BF5;
	[smem:$0x3FBB] =	sst s0  }
0x18: {  	s0 =	sld [smem:$0x3F9E];
	_ =	swait.ge [sflag:s4], $0x0  }
0x19: {  	s7 =	sld [smem:$0x3F9F]  }
0x1a: {  	s8 =	sadd.s32 $0xFFFFE003, lr  }
0x1b: {  	s9 =	sadd.s32 $0xFFFFFEF7, lr;
	s5 =	simm.s32 $0xFFFFFFFF;
	p2 =	slt.u32 s8, $0xFFFFF086  }
0x1c: {  	p1 =	slt.u32 s9, $0xF7A;
	s5 =	simm.s32 @!p2 $0x0  }
0x1d: {  	s5 =	simm.s32 @p1 $0x1;
	p0 =	seq.s32 s7, s2  }
0x1e: {  	s7 =	smul.u32 @!p0 $0xF7A, s2;
	p2 =	seq.s32 @!p0 s5, $0x0  }
0x1f: {  	s9 =	smul.u32 $0xF7A, s1;
	s8 =	simm.s32 @!p0 $0x1BF5;
	p2 =	por !p2, p0  }
0x20: {  	[sflag:s8] =	ssyncset.s32 @!p0 $0xFFFFF086;
	s6 =	sadd.s32 @!p0 s3, s7;
	s7 =	simm.s32 @!p0 $0x108  }
0x21: {  	s3 =	sadd.s32 s3, s9;
	s6 =	sadd.s32 @!p0 $0x88, s6;
	s7 =	simm.s32 @p2 $0x1082  }
0x22: {  	[simem:s7], [sflag:s8] =	dma.local @!p0 [hbm:s6], $0xF7A  }
0x23: {  	s9 =	sor.u32 $0xD0000000, s2;
	s6 =	simm.s32 $0x108;
	_ =	swait.ge @!p0 [sflag:s8], $0x0  }
0x24: {  	s3 =	sadd.s32 $0x88, s3;
	s6 =	simm.s32 @!p1 $0x1082;
	[sflag:s4] =	ssyncset.s32 $0xFFFFF086  }
0x25: {  	[simem:s6], [sflag:s4] =	dma.local [hbm:s3], $0xF7A  }
0x26: {  	[smem:$0x3F9F] =	sst s1;
	(tag) =	ssettag s2;
	_ =	strace s9  }
0x27: {  	s1 =	sld [smem:$0x3FAF]  }
0x28: {  	s2 =	sld [smem:$0x3FB0]  }
0x29: {  	s4 =	sld [smem:$0x3FB2]  }
0x2a: {  	p0 =	seq.s32 s5, $0x0;
	s5 =	sld [smem:$0x3FB3]  }
0x2b: {  	s6 =	sld [smem:$0x3FB4]  }
0x2c: {  	s7 =	sld [smem:$0x3FB5]  }
0x2d: {  	s3 =	simm.s32 $0x108;
	s8 =	sld [smem:$0x3FB6]  }
0x2e: {  	s3 =	simm.s32 @!p0 $0x1082;
	s9 =	sld [smem:$0x3FB7]  }
0x2f: {  	lr =	sadd.s32 s0, s3;
	s0 =	sld [smem:$0x3FAE]  }
0x30: {  	s3 =	sld [smem:$0x3FB1]  }
0x31: {  	[smem:$0x3FBA] =	sst s10  }
0x32: {  	s10 =	sld [smem:$0x3FB8];
	_ =	sdelay $0x3  }
0x33: {  	p0 =	seq.s32 s10, $0x1;
	s10 =	sld [smem:$0x3FBA];
	_ =	sdelay $0x3  }
0x34: {  	[smem:$0x3FBA] =	sst s10  }
0x35: {  	s10 =	sld [smem:$0x3FB9];
	_ =	sdelay $0x3  }
0x36: {  	p1 =	seq.s32 s10, $0x1;
	s10 =	sld [smem:$0x3FBA];
	_ =	sdelay $0x3  }
0x37: {  	[smem:$0x3FBA] =	sst s10  }
0x38: {  	s10 =	sld [smem:$0x3FBB]  }
0x39: {  	_ = 	snop;
	(pc) =	sbr.ind lr, $3  }
0x3a: {  	_ = 	snop  }
0x3b: {  	_ = 	snop  }
0x3c: {  	p2 =	seq.s32 s10, $0x1;
	s10 =	sld [smem:$0x3FBA]  }
0x3d: {  	_ =	shalt  }
0x3e: {  	_ =	shalt  }
0x3f: {  	_ =	shalt  }
0x40: {  	_ =	shalt  }
0x41: {  	_ =	shalt  }
0x42: {  	_ =	shalt  }
0x43: {  	_ =	shalt  }
0x44: {  	_ =	shalt  }
0x45: {  	_ =	shalt  }
0x46: {  	_ =	shalt  }
0x47: {  	_ =	shalt  }
0x48: {  	_ =	shalt  }
0x49: {  	_ =	shalt  }
0x4a: {  	_ =	shalt  }
0x4b: {  	_ =	shalt  }
0x4c: {  	_ =	shalt  }
0x4d: {  	_ =	shalt  }
0x4e: {  	_ =	shalt  }
0x4f: {  	_ =	shalt  }
0x50: {  	_ =	shalt  }
0x51: {  	_ =	shalt  }
0x52: {  	_ =	shalt  }
0x53: {  	_ =	shalt  }
0x54: {  	_ =	shalt  }
0x55: {  	_ =	shalt  }
0x56: {  	_ =	shalt  }
0x57: {  	_ =	shalt  }
0x58: {  	_ =	shalt  }
0x59: {  	_ =	shalt  }
0x5a: {  	_ =	shalt  }
0x5b: {  	_ =	shalt  }
0x5c: {  	_ =	shalt  }
0x5d: {  	_ =	shalt  }
0x5e: {  	_ =	shalt  }
0x5f: {  	_ =	shalt  }
0x60: {  	_ =	shalt  }
0x61: {  	_ =	shalt  }
0x62: {  	_ =	shalt  }
0x63: {  	_ =	shalt  }
0x64: {  	_ =	shalt  }
0x65: {  	_ =	shalt  }
0x66: {  	_ =	shalt  }
0x67: {  	_ =	shalt  }
0x68: {  	_ =	shalt  }
0x69: {  	_ =	shalt  }
0x6a: {  	_ =	shalt  }
0x6b: {  	_ =	shalt  }
0x6c: {  	_ =	shalt  }
0x6d: {  	_ =	shalt  }
0x6e: {  	_ =	shalt  }
0x6f: {  	_ =	shalt  }
0x70: {  	_ =	shalt  }
0x71: {  	_ =	shalt  }
0x72: {  	_ =	shalt  }
0x73: {  	_ =	shalt  }
0x74: {  	_ =	shalt  }
0x75: {  	_ =	shalt  }
0x76: {  	_ =	shalt  }
0x77: {  	_ =	shalt  }
0x78: {  	_ =	shalt  }
0x79: {  	_ =	shalt  }
0x7a: {  	_ =	shalt  }
0x7b: {  	_ =	shalt  }
0x7c: {  	_ =	shalt  }
0x7d: {  	_ =	shalt  }
0x7e: {  	_ =	shalt  }
0x7f: {  	_ =	shalt  }
0x80: {  	_ =	shalt  }
0x81: {  	_ =	shalt  }
0x82: {  	_ =	shalt  }
0x83: {  	_ =	shalt  }
0x84: {  	_ =	shalt  }
0x85: {  	_ =	shalt  }
0x86: {  	_ =	shalt  }
0x87: {  	_ =	shalt  }
.Lfunc_end0:
.L_simem_size_0:
called_computation_lowered:
.L_overlay_start_0:
0x88: {  	s2 =	sld [smem:$0x3FD9]  }
0x89: {  	s3 =	sld [smem:$0x3FFE];
	_ =	sdelay $0x1  }
0x8a: {  	s1 =	srdreg.scid  }
0x8b: {  	s0 =	sand.u32 $0x1, s1  }
0x8c: {  	s17 =	sshll.u32 s0, $0xA;
	s2 =	sadd.s32 s3, s2  }
0x8d: {  	s2 =	sadd.s32 s2, s17  }
0x8e: {  	[smem:$0x3FC6] =	sst s2  }
0x8f: {  	_ = 	snop  }
0x90: {  	s2 =	sld [smem:$0x3FC9]  }
0x91: {  	s18 =	sld [smem:$0x3FD0];
	(tm) =	ssettm $0x1  }
0x92: {  	s4 =	sld [smem:$0x3FFB];
	_ =	sdelay $0x3  }
0x93: {  	_ =	strace s4  }
0x94: {  	s4 =	sld [smem:$0x3FFC];
	_ =	sdelay $0x3  }
0x95: {  	_ =	strace s4  }
0x96: {  	s4 =	sld [smem:$0x3FFD];
	_ =	sdelay $0x3  }
0x97: {  	_ =	strace s4  }
0x98: {  	_ =	strace $0x8FFFFFFF  }
0x99: {  	s19 =	sld [smem:$0x3FDB];
	_ =	sdelay $0x1  }
0x9a: {  	s5 =	simm.s32 $_scs_section_size  }
0x9b: {  	s6 =	simm.s32 $_size__tile_overlayer_lowered;
	s7 =	simm.s32 $_tile_overlayer_lowered  }
0x9c: {  	s22 =	simm.s32 $0x1BFF;
	s21 =	sshll.u32 s7, $0x1;
	s4 =	sadd.s32 s5, s19  }
0x9d: {  	s8 =	simm.s32 $0x0;
	s20 =	sshll.u32 s6, $0x1;
	s6 =	sadd.s32 s21, s4  }
0x9e: {  	[timem:s8], [sflag:s22] =	dma.local [hbm:s6], s20  }
0x9f: {  	_ =	swait.ge [sflag:s22], s20  }
0xa0: {  	s5 =	ssub.s32 $0x0, s20;
	[sflag:s22] =	ssyncset.done $0x0  }
0xa1: {  	[sflag:s22] =	ssyncadd.s32 s5;
	_ =	sdelay $0x1  }
0xa2: {  	s23 =	simm.s32 $0x1B8B  }
0xa3: {  	_ =	swait.ge [sflag:s23], $0x1  }
0xa4: {  	[sflag:s23] =	ssyncset.done $0x0  }
0xa5: {  	s25 =	simm.s32 $0x1B8E;
	s24 =	sld [smem:$0x3FFE];
	[sflag:s23] =	ssyncadd.s32 $0xFFFFFFFF  }
0xa6: {  	s26 =	simm.s32 $execute0_lowered;
	[smem:$0x3FD2] =	sst s25  }
0xa7: {  	s6 =	sshll.u32 s26, $0x1;
	_ =	strace $0x80000046;
	[dreg:$0x1] =	wrdreg $0xFFFFFFFF  }
0xa8: {  	s28 =	simm.s32 $_size_execute0_lowered;
	s4 =	sadd.s32 s4, s6;
	[dreg:$0x0] =	wrdreg $0x0  }
0xa9: {  	s6 =	sshll.u32 s28, $0x1;
	[dreg:$0x2] =	wrdreg s4  }
0xaa: {  	[dreg:$0x3] =	wrdreg s6  }
0xab: {  	[dreg:$0x4] =	wrdreg $0xC0  }
0xac: {  	_ =	task [dreg:s8], $0x5FFFF  }
0xad: {  	[dreg:$0x1] =	wrdreg $0xFFFFFFFF  }
0xae: {  	[dreg:$0x0] =	wrdreg $0x60  }
0xaf: {  	[dreg:$0x2] =	wrdreg s2  }
0xb0: {  	[dreg:$0x3] =	wrdreg s24  }
0xb1: {  	[dreg:$0x4] =	wrdreg s18  }
0xb2: {  	[dreg:$0x5] =	wrdreg $0x9  }
0xb3: {  	_ =	task.clear_ibuf [dreg:s8], $0x6FFFF;
	_ =	strace $0x90000046  }
0xb4: {  	s29 =	simm.s32 $0x9;
	_ =	strace $0x80000048  }
0xb5: {  	_ =	swait.ge [sflag:s29], $0x1  }
0xb6: {  	[sflag:s29] =	ssyncadd.s32 $0xFFFFFFFF  }
0xb7: {  	_ =	strace $0x90000048  }
0xb8: {  	_ =	sfence  }
0xb9: {  	s30 =	sld [smem:$0x0];
	_ =	sdelay $0x2  }
0xba: {  	s31 =	sshll.u32 s1, $0xD;
	s1 =	sshrl.u32 s1, $0x2  }
0xbb: {  	s3 =	sand.u32 $0x4000, s31;
	s1 =	sadd.s32 s1, s30  }
0xbc: {  	s0 =	sor.u32 s3, s0;
	s1 =	sshll.u32 s1, $0x11  }
0xbd: {  	s0 =	sor.u32 s1, s0  }
0xbe: {  	s0 =	sadd.s32 $0x8F2B, s0  }
0xbf: {  	[sflag:s0] =	ssyncadd.remote.s32 $0x1  }
0xc0: {  	_ =	sfence.sel $0xFFFF  }
0xc1: {  	[dreg:$0x0] =	wrdreg $0xFFFFFFFF;
	(pc) =	sbr.abs _section_cstart, $3  }
0xc2: {  	[dreg:$0x1] =	wrdreg $0xFFFFFFFF  }
0xc3: {  	_ =	task.clear_ibuf [dreg:s8], $0x2FFFF;
	_ =	strace $0x9FFFFFFF  }
0xc4: {  	(tm) =	ssettm $0x7FFFFFFF  }
0xc5: {  	_ =	shalt  }
tec
execute0_lowered:
.L_overlay_start_1:
0x0: {  	(tag) =	ssettag $0x1  }
0x1: {  	s4 =	rddreg [dreg:$0x0]  }
0x2: {  	s1 =	srdreg.scid;
	s0 =	stileid.u32  }
0x3: {  	s3 =	rddreg [dreg:$0x1];
	v0 =	vimm.s32 $0xECA86420;
	s6 =	sand.u32 $0x1, s1;
	s7 =	sshll.u32 s0, $0x1  }
0x4: {  	s5 =	rddreg [dreg:$0x2];
	vm0 =	vcmask $0xB08;
	vm1 =	vcmask $0x1310;
	vm2 =	vcmask $0x1B18;
	s0 =	simm.s32 $0x0;
	s7 =	sor.u32 s6, s7  }
0x5: {  	vm3 =	vcmask $0x300;
	vm4 =	vcmask $0x2320;
	s28 =	sadd.s32 $0xF42800, s3;
	[smem:$0x7FF] =	sst s0;
	s8 =	smul.u32 $0x1A0, s7  }
0x6: {  	vm5 =	vcmask $0x2B28;
	vm6 =	vcmask $0x3330;
	vm7 =	vcmask $0x3B38;
	s6 =	ssub.s32 $0x2, s6;
	_ =	strace $0x80000047;
	s7 =	smul.u32 $0x3400, s7  }
0x7: {  	v1 =	vlaneseq.u32;
	vm8 =	vmmov $0xff;
	vm9 =	vcmask $0x704;
	s9 =	sshrl.u32 s6, $0x1;
	[dreg:$0x4] =	wrdreg s28;
	s29 =	sadd.s32 s4, s8  }
0x8: {  	vm10 =	vcmask $0xF0C;
	vm11 =	vcmask $0x1714;
	v0 =	vunpack.c.l.s4.s8 v0;
	s6 =	ssub.s32 s6, s9;
	s30 =	sadd.s32 s5, s7;
	[dreg:$0x5] =	wrdreg s29  }
0x9: {  	vm12 =	vcmask $0x1F1C;
	vm13 =	vcmask $0x2724;
	vm14 =	vcmask $0x2F2C;
	s31 =	smax.u32 s6, $0x1;
	[dreg:$0x6] =	wrdreg s30  }
0xa: {  	s2 =	simm.s32 $0x2;
	vm15 =	vcmask $0x3734;
	s10 =	simm.s32 $0x0;
	v1 =	vmul.u32 $0x2, v1;
	v0 =	vunpack.c.0.s8.s32 v0;
	[dreg:$0x7] =	wrdreg s31  }
.LBB2_1:
0xb: {  	s1 =	rddreg [dreg:$0x5]  }
0xc: {  	[tilespmem:s0], [sflag:$0x2] =	stream.linear.gather [hbm4b:s1+s0], $0xD00, $0x38;
	[tilespmem:$0x1AD00] =	vst v63  }
0xd: {  	_ =	swait.ge [sflag:s2], $0xD00  }
0xe: {  	[sflag:s2] =	ssyncset.done $0x0  }
0xf: {  	s11 =	simm.s32 $0xFFFFFFF8;
	s12 =	simm.s32 $0x40;
	[sflag:s2] =	ssyncadd.s32 $0xFFFFF300  }
.LBB2_2:
0x10: {  	v2 =	vld [tilespmem:s12+$0xFFFFFFC0];
	_ =	sdelay $0x4  }
0x11: {  	(v2sf) =	vpush v2, $0xD;
	_ =	sdelay $0x1  }
0x12: {  	(v2sf) =	vpush v2, $0xC;
	_ =	sdelay $0x1  }
0x13: {  	(v2sf) =	vpush v2, $0xE;
	_ =	sdelay $0x1  }
0x14: {  	(v2sf) =	vpush v2, $0xF;
	_ =	sdelay $0x1  }
0x15: {  	(v2sf) =	vpush v2, $0x9;
	_ =	sdelay $0x1  }
0x16: {  	(v2sf) =	vpush v2, $0x8;
	_ =	sdelay $0x1  }
0x17: {  	(v2sf) =	vpush v2, $0xA;
	_ =	sdelay $0x1  }
0x18: {  	(v2sf) =	vpush v2, $0xB  }
0x19: {  	s13 =	spop (v2sf)  }
0x1a: {  	(v2sf) =	vpush v2, $0x0;
	s14 =	smulhi.u32 $0x431BDE83, s13;
	s13 =	sshra.s32 s13, $0x1F  }
0x1b: {  	s15 =	spop (v2sf);
	(v2sf) =	vpush v2, $0x1;
	s13 =	smul.u32 $0x431BDE83, s13  }
0x1c: {  	s16 =	smulhi.u32 $0x431BDE83, s15;
	s15 =	sshra.s32 s15, $0x1F;
	(v2sf) =	vpush v2, $0x2  }
0x1d: {  	s17 =	spop (v2sf);
	s15 =	smul.u32 $0x431BDE83, s15;
	(v2sf) =	vpush v2, $0x3  }
0x1e: {  	s18 =	smulhi.u32 $0x431BDE83, s17;
	s17 =	sshra.s32 s17, $0x1F;
	(v2sf) =	vpush v2, $0x4  }
0x1f: {  	s19 =	spop (v2sf);
	s17 =	smul.u32 $0x431BDE83, s17;
	(v2sf) =	vpush v2, $0x5  }
0x20: {  	s20 =	smulhi.u32 $0x431BDE83, s19;
	s4 =	sshra.s32 s19, $0x1F;
	(v2sf) =	vpush v2, $0x6  }
0x21: {  	s13 =	sadd.s32 s13, s14;
	s5 =	spop (v2sf);
	s19 =	smul.u32 $0x431BDE83, s4;
	(v2sf) =	vpush v2, $0x7  }
0x22: {  	s22 =	sshrl.u32 s13, $0x1F;
	s21 =	smulhi.u32 $0x431BDE83, s5;
	s14 =	sshra.s32 s5, $0x1F  }
0x23: {  	s16 =	sadd.s32 s15, s16;
	s6 =	spop (v2sf);
	s23 =	smul.u32 $0x431BDE83, s14  }
0x24: {  	s26 =	sshrl.u32 s16, $0x1F;
	s7 =	smulhi.u32 $0x431BDE83, s6;
	s15 =	sshra.s32 s6, $0x1F  }
0x25: {  	s14 =	sadd.s32 s17, s18;
	s8 =	spop (v2sf);
	s28 =	smul.u32 $0x431BDE83, s15  }
0x26: {  	s24 =	sshrl.u32 s14, $0x1F;
	s9 =	smulhi.u32 $0x431BDE83, s8;
	s17 =	sshra.s32 s8, $0x1F  }
0x27: {  	s15 =	sadd.s32 s19, s20;
	s4 =	spop (v2sf);
	s29 =	smul.u32 $0x431BDE83, s17  }
0x28: {  	s25 =	sshrl.u32 s15, $0x1F;
	s30 =	smulhi.u32 $0x431BDE83, s4;
	s20 =	sshra.s32 s4, $0x1F  }
0x29: {  	s17 =	sadd.s32 s23, s21;
	s31 =	smul.u32 $0x431BDE83, s20;
	s5 =	spop (v2sf)  }
0x2a: {  	s1 =	smulhi.u32 $0x431BDE83, s5;
	s6 =	sshra.s32 s5, $0x1F;
	s0 =	spop (v2sf)  }
0x2b: {  	s20 =	sadd.s32 s28, s7;
	s28 =	smul.u32 $0x431BDE83, s6;
	s7 =	spop (v2sf)  }
0x2c: {  	s8 =	smulhi.u32 $0x431BDE83, s0;
	s0 =	sshra.s32 s0, $0x1F;
	s3 =	spop (v2sf)  }
0x2d: {  	s23 =	sshrl.u32 s17, $0x1F;
	s0 =	smul.u32 $0x431BDE83, s0;
	s5 =	spop (v2sf)  }
0x2e: {  	s6 =	smulhi.u32 $0x431BDE83, s7;
	s18 =	sshra.s32 s7, $0x1F;
	s2 =	spop (v2sf)  }
0x2f: {  	s21 =	sadd.s32 s29, s9;
	s19 =	smul.u32 $0x431BDE83, s18;
	s29 =	spop (v2sf)  }
0x30: {  	v4 =	vmov s26;
	s18 =	sadd.s32 s31, s30;
	s30 =	smulhi.u32 $0x431BDE83, s3;
	s9 =	spop (v2sf)  }
0x31: {  	v4 =	vsel vm0, s22, v4;
	s1 =	sadd.s32 s28, s1;
	s28 =	smulhi.u32 $0x431BDE83, s9;
	s31 =	sshra.s32 s9, $0x1F  }
0x32: {  	v4 =	vsel vm1, s24, v4;
	s24 =	sshra.s32 s16, $0x12;
	s3 =	sshra.s32 s3, $0x1F;
	s7 =	smul.u32 $0x431BDE83, s31  }
0x33: {  	s4 =	sshrl.u32 s20, $0x1F;
	s0 =	sadd.s32 s0, s8;
	s3 =	smul.u32 $0x431BDE83, s3  }
0x34: {  	s8 =	sshrl.u32 s1, $0x1F;
	s6 =	sadd.s32 s19, s6;
	s19 =	sadd.s32 s7, s28  }
0x35: {  	v5 =	vmov s8;
	s8 =	smulhi.u32 $0x431BDE83, s2;
	s2 =	sshra.s32 s2, $0x1F;
	s7 =	sshra.s32 s19, $0x1F  }
0x36: {  	s26 =	sshra.s32 s0, $0x12;
	s3 =	sadd.s32 s3, s30;
	v3 =	vmov s7;
	s7 =	sshra.s32 s1, $0x12  }
0x37: {  	s30 =	sshrl.u32 s0, $0x1F;
	s2 =	smul.u32 $0x431BDE83, s2;
	s1 =	sshra.s32 s1, $0x1F;
	v3 =	vsel vm3, s7, v3  }
0x38: {  	s0 =	sshra.s32 s0, $0x1F;
	s28 =	smulhi.u32 $0x431BDE83, s5;
	s5 =	sshra.s32 s5, $0x1F;
	v3 =	vsel vm9, s1, v3  }
0x39: {  	v4 =	vsel vm2, s25, v4;
	v5 =	vnsel vm3, $0x0, v5;
	s25 =	sshra.s32 s6, $0x12;
	s9 =	sshrl.u32 s18, $0x1F;
	s5 =	smul.u32 $0x431BDE83, s5;
	v3 =	vsel vm0, s26, v3  }
0x3a: {  	s22 =	sshrl.u32 s3, $0x1F;
	v5 =	vsel vm0, s30, v5;
	s30 =	sshra.s32 s29, $0x1F;
	s7 =	sshrl.u32 s6, $0x1F;
	v3 =	vsel vm10, s0, v3  }
0x3b: {  	v28 =	vmov s24;
	v6 =	vmov s4;
	s4 =	sadd.s32 s5, s28;
	s28 =	sshra.s32 s6, $0x1F;
	s1 =	smulhi.u32 $0x431BDE83, s29;
	v3 =	vsel vm1, s25, v3  }
0x3c: {  	v6 =	vsel vm0, s23, v6;
	s31 =	sshrl.u32 s21, $0x1F;
	v5 =	vsel vm1, s7, v5;
	s26 =	smul.u32 $0x431BDE83, s30;
	s30 =	sshra.s32 s3, $0x12;
	v3 =	vsel vm11, s28, v3  }
0x3d: {  	s2 =	sadd.s32 s2, s8;
	s8 =	sshra.s32 s3, $0x1F;
	v6 =	vsel vm1, s31, v6;
	s29 =	sshrl.u32 s4, $0x1F;
	v5 =	vsel vm2, s22, v5;
	v3 =	vsel vm2, s30, v3  }
0x3e: {  	v6 =	vsel vm2, s9, v6;
	s7 =	sshrl.u32 s2, $0x1F;
	s23 =	sshra.s32 s4, $0x12;
	v5 =	vsel vm4, s29, v5;
	s1 =	sadd.s32 s26, s1;
	v3 =	vsel vm12, s8, v3  }
0x3f: {  	v4 =	vcombine.low v6, v4;
	v5 =	vsel vm5, s7, v5;
	s25 =	sshra.s32 s20, $0x12;
	s26 =	sshra.s32 s4, $0x1F;
	s22 =	sshrl.u32 s1, $0x1F;
	v3 =	vsel vm4, s23, v3  }
0x40: {  	s29 =	sshra.s32 s17, $0x12;
	s28 =	sshra.s32 s13, $0x12;
	v7 =	vmov s25;
	v5 =	vsel vm6, s22, v5;
	s30 =	sshra.s32 s2, $0x12;
	v3 =	vsel vm13, s26, v3  }
0x41: {  	s31 =	sshra.s32 s14, $0x12;
	s5 =	sshra.s32 s21, $0x12;
	s6 =	sshra.s32 s2, $0x1F;
	v6 =	vsel vm0, s28, v28;
	v7 =	vsel vm0, s29, v7;
	v3 =	vsel vm5, s30, v3  }
0x42: {  	s7 =	sshra.s32 s15, $0x12;
	s9 =	sshra.s32 s1, $0x12;
	v6 =	vsel vm1, s31, v6;
	v7 =	vsel vm1, s5, v7;
	s8 =	sshra.s32 s18, $0x12;
	v3 =	vsel vm14, s6, v3  }
0x43: {  	s13 =	sshrl.u32 s19, $0x1F;
	s14 =	sshra.s32 s1, $0x1F;
	v6 =	vsel vm2, s7, v6;
	v7 =	vsel vm2, s8, v7;
	v3 =	vsel vm6, s9, v3  }
0x44: {  	s15 =	sshra.s32 s19, $0x12;
	v5 =	vsel vm7, s13, v5;
	v6 =	vcombine.low v7, v6;
	v3 =	vsel vm15, s14, v3  }
0x45: {  	v4 =	vperm.xlane v4, v0;
	v5 =	vperm.xlane v5, v1;
	v3 =	vsel vm7, s15, v3  }
0x46: {  	v6 =	vperm.xlane v6, v0;
	v3 =	vperm.xlane v3, v1;
	_ =	sdelay $0x1  }
0x47: {  	v4 =	vsel vm8, v5, v4;
	v3 =	vsel vm8, v3, v6  }
0x48: {  	v3 =	vadd.s32 v4, v3  }
0x49: {  	v3 =	vmul.u32 $0xF4240, v3;
	_ =	sdelay $0x1  }
0x4a: {  	v2 =	vsub.s32 v2, v3  }
0x4b: {  	[tilespmem:s12+$0xFFFFFFC0] =	vst v2;
	v2 =	vld [tilespmem:s12+$0xFFFFFFD0];
	_ =	sdelay $0x4  }
0x4c: {  	(v2sf) =	vpush v2, $0xD;
	_ =	sdelay $0x1  }
0x4d: {  	(v2sf) =	vpush v2, $0xC;
	_ =	sdelay $0x1  }
0x4e: {  	(v2sf) =	vpush v2, $0xE;
	_ =	sdelay $0x1  }
0x4f: {  	(v2sf) =	vpush v2, $0xF;
	_ =	sdelay $0x1  }
0x50: {  	(v2sf) =	vpush v2, $0x9;
	_ =	sdelay $0x1  }
0x51: {  	(v2sf) =	vpush v2, $0x8;
	_ =	sdelay $0x1  }
0x52: {  	(v2sf) =	vpush v2, $0xA;
	_ =	sdelay $0x1  }
0x53: {  	(v2sf) =	vpush v2, $0xB  }
0x54: {  	s16 =	spop (v2sf)  }
0x55: {  	(v2sf) =	vpush v2, $0x0;
	s17 =	smulhi.u32 $0x431BDE83, s16;
	s0 =	sshra.s32 s16, $0x1F  }
0x56: {  	(v2sf) =	vpush v2, $0x1;
	s18 =	spop (v2sf);
	s0 =	smul.u32 $0x431BDE83, s0  }
0x57: {  	(v2sf) =	vpush v2, $0x2;
	s19 =	smulhi.u32 $0x431BDE83, s18;
	s2 =	sshra.s32 s18, $0x1F  }
0x58: {  	(v2sf) =	vpush v2, $0x3;
	s20 =	spop (v2sf);
	s2 =	smul.u32 $0x431BDE83, s2  }
0x59: {  	(v2sf) =	vpush v2, $0x4;
	s21 =	smulhi.u32 $0x431BDE83, s20;
	s4 =	sshra.s32 s20, $0x1F  }
0x5a: {  	(v2sf) =	vpush v2, $0x5;
	s22 =	spop (v2sf);
	s4 =	smul.u32 $0x431BDE83, s4  }
0x5b: {  	(v2sf) =	vpush v2, $0x6;
	s23 =	smulhi.u32 $0x431BDE83, s22;
	s25 =	sshra.s32 s22, $0x1F  }
0x5c: {  	s13 =	sadd.s32 s0, s17;
	s26 =	spop (v2sf);
	(v2sf) =	vpush v2, $0x7;
	s1 =	smul.u32 $0x431BDE83, s25  }
0x5d: {  	s22 =	sshrl.u32 s13, $0x1F;
	s28 =	smulhi.u32 $0x431BDE83, s26;
	s29 =	sshra.s32 s26, $0x1F  }
0x5e: {  	s16 =	sadd.s32 s2, s19;
	s30 =	spop (v2sf);
	s3 =	smul.u32 $0x431BDE83, s29  }
0x5f: {  	s6 =	sshrl.u32 s16, $0x1F;
	s31 =	smulhi.u32 $0x431BDE83, s30;
	s19 =	sshra.s32 s30, $0x1F  }
0x60: {  	s14 =	sadd.s32 s4, s21;
	s20 =	spop (v2sf);
	s5 =	smul.u32 $0x431BDE83, s19  }
0x61: {  	s24 =	sshrl.u32 s14, $0x1F;
	s21 =	smulhi.u32 $0x431BDE83, s20;
	s8 =	sshra.s32 s20, $0x1F  }
0x62: {  	s15 =	sadd.s32 s1, s23;
	s9 =	spop (v2sf);
	s1 =	smul.u32 $0x431BDE83, s8  }
0x63: {  	s17 =	sadd.s32 s3, s28;
	s18 =	smulhi.u32 $0x431BDE83, s9;
	s28 =	sshra.s32 s9, $0x1F  }
0x64: {  	s25 =	sshrl.u32 s15, $0x1F;
	s29 =	spop (v2sf);
	s3 =	smul.u32 $0x431BDE83, s28  }
0x65: {  	v29 =	vmov s6;
	s23 =	sshrl.u32 s17, $0x1F;
	s8 =	smulhi.u32 $0x431BDE83, s29;
	s30 =	spop (v2sf)  }
0x66: {  	v4 =	vsel vm0, s22, v29;
	s7 =	sshra.s32 s29, $0x1F;
	s20 =	sadd.s32 s5, s31;
	s31 =	spop (v2sf)  }
0x67: {  	v4 =	vsel vm1, s24, v4;
	s24 =	sshra.s32 s16, $0x12;
	s4 =	smul.u32 $0x431BDE83, s7;
	s19 =	spop (v2sf)  }
0x68: {  	s7 =	smulhi.u32 $0x431BDE83, s30;
	s9 =	sshra.s32 s30, $0x1F;
	s28 =	spop (v2sf)  }
0x69: {  	s21 =	sadd.s32 s1, s21;
	s9 =	smul.u32 $0x431BDE83, s9;
	s30 =	spop (v2sf)  }
0x6a: {  	s29 =	smulhi.u32 $0x431BDE83, s31;
	s5 =	sshra.s32 s31, $0x1F;
	s1 =	spop (v2sf)  }
0x6b: {  	s26 =	sshrl.u32 s20, $0x1F;
	s0 =	smul.u32 $0x431BDE83, s5;
	s5 =	spop (v2sf)  }
0x6c: {  	s18 =	sadd.s32 s3, s18;
	s31 =	smulhi.u32 $0x431BDE83, s5;
	s3 =	sshra.s32 s5, $0x1F  }
0x6d: {  	v4 =	vsel vm2, s25, v4;
	s25 =	sshra.s32 s20, $0x12;
	s4 =	sadd.s32 s4, s8;
	s3 =	smul.u32 $0x431BDE83, s3  }
0x6e: {  	s7 =	sadd.s32 s9, s7;
	s2 =	smulhi.u32 $0x431BDE83, s19;
	s19 =	sshra.s32 s19, $0x1F  }
0x6f: {  	s9 =	sshrl.u32 s21, $0x1F;
	s8 =	smul.u32 $0x431BDE83, s19;
	s19 =	sadd.s32 s3, s31  }
0x70: {  	s0 =	sadd.s32 s0, s29;
	s29 =	sshrl.u32 s18, $0x1F;
	s31 =	sshra.s32 s19, $0x1F  }
0x71: {  	s22 =	sshra.s32 s30, $0x1F;
	s2 =	sadd.s32 s8, s2;
	v3 =	vmov s31;
	s31 =	sshra.s32 s4, $0x12  }
0x72: {  	v31 =	vmov s26;
	s5 =	smulhi.u32 $0x431BDE83, s28;
	s3 =	sshrl.u32 s4, $0x1F;
	s4 =	sshra.s32 s4, $0x1F;
	v3 =	vsel vm3, s31, v3  }
0x73: {  	v6 =	vsel vm0, s23, v31;
	s8 =	sshra.s32 s28, $0x1F;
	v30 =	vmov s3;
	s3 =	smulhi.u32 $0x431BDE83, s30;
	s30 =	sshra.s32 s7, $0x12;
	v3 =	vsel vm9, s4, v3  }
0x74: {  	v6 =	vsel vm1, s9, v6;
	s28 =	sshrl.u32 s7, $0x1F;
	s6 =	smul.u32 $0x431BDE83, s8;
	s7 =	sshra.s32 s7, $0x1F;
	v3 =	vsel vm0, s30, v3  }
0x75: {  	v6 =	vsel vm2, s29, v6;
	s29 =	sshra.s32 s17, $0x12;
	s22 =	smul.u32 $0x431BDE83, s22;
	s30 =	sshra.s32 s0, $0x12;
	v3 =	vsel vm10, s7, v3  }
0x76: {  	s8 =	sshrl.u32 s0, $0x1F;
	s5 =	sadd.s32 s6, s5;
	s0 =	sshra.s32 s0, $0x1F;
	v3 =	vsel vm1, s30, v3  }
0x77: {  	v32 =	vmov s24;
	s9 =	sshra.s32 s2, $0x1F;
	s6 =	sshra.s32 s2, $0x12;
	s23 =	sshra.s32 s5, $0x12;
	v5 =	vnsel vm3, $0x0, v30;
	v3 =	vsel vm11, s0, v3  }
0x78: {  	v33 =	vmov s25;
	s26 =	sshra.s32 s5, $0x1F;
	v5 =	vsel vm0, s28, v5;
	s28 =	smulhi.u32 $0x431BDE83, s1;
	s1 =	sshra.s32 s1, $0x1F;
	v3 =	vsel vm2, s6, v3  }
0x79: {  	v4 =	vcombine.low v6, v4;
	s31 =	sshrl.u32 s2, $0x1F;
	s3 =	sadd.s32 s22, s3;
	v5 =	vsel vm1, s8, v5;
	s1 =	smul.u32 $0x431BDE83, s1;
	v3 =	vsel vm12, s9, v3  }
0x7a: {  	v7 =	vsel vm0, s29, v33;
	s8 =	sshrl.u32 s3, $0x1F;
	v5 =	vsel vm2, s31, v5;
	s31 =	sshrl.u32 s5, $0x1F;
	s5 =	sshra.s32 s21, $0x12;
	v3 =	vsel vm4, s23, v3  }
0x7b: {  	v5 =	vsel vm4, s31, v5;
	s1 =	sadd.s32 s1, s28;
	s28 =	sshra.s32 s13, $0x12;
	v7 =	vsel vm1, s5, v7;
	s30 =	sshra.s32 s3, $0x12;
	v3 =	vsel vm13, s26, v3  }
0x7c: {  	s31 =	sshra.s32 s14, $0x12;
	v5 =	vsel vm5, s8, v5;
	s22 =	sshrl.u32 s1, $0x1F;
	v6 =	vsel vm0, s28, v32;
	s6 =	sshra.s32 s3, $0x1F;
	v3 =	vsel vm5, s30, v3  }
0x7d: {  	s7 =	sshra.s32 s15, $0x12;
	s8 =	sshra.s32 s18, $0x12;
	v5 =	vsel vm6, s22, v5;
	v6 =	vsel vm1, s31, v6;
	s9 =	sshra.s32 s1, $0x12;
	v3 =	vsel vm14, s6, v3  }
0x7e: {  	s13 =	sshrl.u32 s19, $0x1F;
	s14 =	sshra.s32 s1, $0x1F;
	v7 =	vsel vm2, s8, v7;
	v6 =	vsel vm2, s7, v6;
	v3 =	vsel vm6, s9, v3  }
0x7f: {  	s15 =	sshra.s32 s19, $0x12;
	v5 =	vsel vm7, s13, v5;
	v6 =	vcombine.low v7, v6;
	v3 =	vsel vm15, s14, v3  }
0x80: {  	v4 =	vperm.xlane v4, v0;
	v5 =	vperm.xlane v5, v1;
	v3 =	vsel vm7, s15, v3  }
0x81: {  	v6 =	vperm.xlane v6, v0;
	v3 =	vperm.xlane v3, v1;
	_ =	sdelay $0x1  }
0x82: {  	v4 =	vsel vm8, v5, v4;
	v3 =	vsel vm8, v3, v6  }
0x83: {  	v3 =	vadd.s32 v4, v3  }
0x84: {  	v3 =	vmul.u32 $0xF4240, v3;
	_ =	sdelay $0x1  }
0x85: {  	v2 =	vsub.s32 v2, v3  }
0x86: {  	[tilespmem:s12+$0xFFFFFFD0] =	vst v2;
	v2 =	vld [tilespmem:s12+$0xFFFFFFE0];
	_ =	sdelay $0x4  }
0x87: {  	(v2sf) =	vpush v2, $0xD;
	_ =	sdelay $0x1  }
0x88: {  	(v2sf) =	vpush v2, $0xC;
	_ =	sdelay $0x1  }
0x89: {  	(v2sf) =	vpush v2, $0xE;
	_ =	sdelay $0x1  }
0x8a: {  	(v2sf) =	vpush v2, $0xF;
	_ =	sdelay $0x1  }
0x8b: {  	(v2sf) =	vpush v2, $0x9;
	_ =	sdelay $0x1  }
0x8c: {  	(v2sf) =	vpush v2, $0x8;
	_ =	sdelay $0x1  }
0x8d: {  	(v2sf) =	vpush v2, $0xA;
	_ =	sdelay $0x1  }
0x8e: {  	(v2sf) =	vpush v2, $0xB  }
0x8f: {  	s16 =	spop (v2sf)  }
0x90: {  	(v2sf) =	vpush v2, $0x0;
	s17 =	smulhi.u32 $0x431BDE83, s16;
	s0 =	sshra.s32 s16, $0x1F  }
0x91: {  	(v2sf) =	vpush v2, $0x1;
	s18 =	spop (v2sf);
	s0 =	smul.u32 $0x431BDE83, s0  }
0x92: {  	(v2sf) =	vpush v2, $0x2;
	s19 =	smulhi.u32 $0x431BDE83, s18;
	s2 =	sshra.s32 s18, $0x1F  }
0x93: {  	(v2sf) =	vpush v2, $0x3;
	s20 =	spop (v2sf);
	s2 =	smul.u32 $0x431BDE83, s2  }
0x94: {  	(v2sf) =	vpush v2, $0x4;
	s21 =	smulhi.u32 $0x431BDE83, s20;
	s4 =	sshra.s32 s20, $0x1F  }
0x95: {  	(v2sf) =	vpush v2, $0x5;
	s22 =	spop (v2sf);
	s4 =	smul.u32 $0x431BDE83, s4  }
0x96: {  	(v2sf) =	vpush v2, $0x6;
	s23 =	smulhi.u32 $0x431BDE83, s22;
	s25 =	sshra.s32 s22, $0x1F  }
0x97: {  	s13 =	sadd.s32 s0, s17;
	s26 =	spop (v2sf);
	(v2sf) =	vpush v2, $0x7;
	s1 =	smul.u32 $0x431BDE83, s25  }
0x98: {  	s22 =	sshrl.u32 s13, $0x1F;
	s28 =	smulhi.u32 $0x431BDE83, s26;
	s29 =	sshra.s32 s26, $0x1F  }
0x99: {  	s16 =	sadd.s32 s2, s19;
	s30 =	spop (v2sf);
	s3 =	smul.u32 $0x431BDE83, s29  }
0x9a: {  	s6 =	sshrl.u32 s16, $0x1F;
	s31 =	smulhi.u32 $0x431BDE83, s30;
	s19 =	sshra.s32 s30, $0x1F  }
0x9b: {  	s14 =	sadd.s32 s4, s21;
	s20 =	spop (v2sf);
	s5 =	smul.u32 $0x431BDE83, s19  }
0x9c: {  	s24 =	sshrl.u32 s14, $0x1F;
	s21 =	smulhi.u32 $0x431BDE83, s20;
	s8 =	sshra.s32 s20, $0x1F  }
0x9d: {  	s15 =	sadd.s32 s1, s23;
	s9 =	spop (v2sf);
	s1 =	smul.u32 $0x431BDE83, s8  }
0x9e: {  	s17 =	sadd.s32 s3, s28;
	s18 =	smulhi.u32 $0x431BDE83, s9;
	s28 =	sshra.s32 s9, $0x1F  }
0x9f: {  	s25 =	sshrl.u32 s15, $0x1F;
	s29 =	spop (v2sf);
	s3 =	smul.u32 $0x431BDE83, s28  }
0xa0: {  	v34 =	vmov s6;
	s23 =	sshrl.u32 s17, $0x1F;
	s8 =	smulhi.u32 $0x431BDE83, s29;
	s30 =	spop (v2sf)  }
0xa1: {  	v4 =	vsel vm0, s22, v34;
	s7 =	sshra.s32 s29, $0x1F;
	s20 =	sadd.s32 s5, s31;
	s31 =	spop (v2sf)  }
0xa2: {  	v4 =	vsel vm1, s24, v4;
	s24 =	sshra.s32 s16, $0x12;
	s4 =	smul.u32 $0x431BDE83, s7;
	s19 =	spop (v2sf)  }
0xa3: {  	s7 =	smulhi.u32 $0x431BDE83, s30;
	s9 =	sshra.s32 s30, $0x1F;
	s28 =	spop (v2sf)  }
0xa4: {  	s21 =	sadd.s32 s1, s21;
	s9 =	smul.u32 $0x431BDE83, s9;
	s30 =	spop (v2sf)  }
0xa5: {  	s29 =	smulhi.u32 $0x431BDE83, s31;
	s5 =	sshra.s32 s31, $0x1F;
	s1 =	spop (v2sf)  }
0xa6: {  	s26 =	sshrl.u32 s20, $0x1F;
	s0 =	smul.u32 $0x431BDE83, s5;
	s5 =	spop (v2sf)  }
0xa7: {  	s18 =	sadd.s32 s3, s18;
	s31 =	smulhi.u32 $0x431BDE83, s5;
	s3 =	sshra.s32 s5, $0x1F  }
0xa8: {  	v4 =	vsel vm2, s25, v4;
	s25 =	sshra.s32 s20, $0x12;
	s4 =	sadd.s32 s4, s8;
	s3 =	smul.u32 $0x431BDE83, s3  }
0xa9: {  	s7 =	sadd.s32 s9, s7;
	s2 =	smulhi.u32 $0x431BDE83, s19;
	s19 =	sshra.s32 s19, $0x1F  }
0xaa: {  	s9 =	sshrl.u32 s21, $0x1F;
	s8 =	smul.u32 $0x431BDE83, s19;
	s19 =	sadd.s32 s3, s31  }
0xab: {  	s0 =	sadd.s32 s0, s29;
	s29 =	sshrl.u32 s18, $0x1F;
	s31 =	sshra.s32 s19, $0x1F  }
0xac: {  	s22 =	sshra.s32 s30, $0x1F;
	s2 =	sadd.s32 s8, s2;
	v3 =	vmov s31;
	s31 =	sshra.s32 s4, $0x12  }
0xad: {  	v36 =	vmov s26;
	s5 =	smulhi.u32 $0x431BDE83, s28;
	s3 =	sshrl.u32 s4, $0x1F;
	s4 =	sshra.s32 s4, $0x1F;
	v3 =	vsel vm3, s31, v3  }
0xae: {  	v6 =	vsel vm0, s23, v36;
	s8 =	sshra.s32 s28, $0x1F;
	v35 =	vmov s3;
	s3 =	smulhi.u32 $0x431BDE83, s30;
	s30 =	sshra.s32 s7, $0x12;
	v3 =	vsel vm9, s4, v3  }
0xaf: {  	v6 =	vsel vm1, s9, v6;
	s28 =	sshrl.u32 s7, $0x1F;
	s6 =	smul.u32 $0x431BDE83, s8;
	s7 =	sshra.s32 s7, $0x1F;
	v3 =	vsel vm0, s30, v3  }
0xb0: {  	v6 =	vsel vm2, s29, v6;
	s29 =	sshra.s32 s17, $0x12;
	s22 =	smul.u32 $0x431BDE83, s22;
	s30 =	sshra.s32 s0, $0x12;
	v3 =	vsel vm10, s7, v3  }
0xb1: {  	s8 =	sshrl.u32 s0, $0x1F;
	s5 =	sadd.s32 s6, s5;
	s0 =	sshra.s32 s0, $0x1F;
	v3 =	vsel vm1, s30, v3  }
0xb2: {  	v37 =	vmov s24;
	s9 =	sshra.s32 s2, $0x1F;
	s6 =	sshra.s32 s2, $0x12;
	s23 =	sshra.s32 s5, $0x12;
	v5 =	vnsel vm3, $0x0, v35;
	v3 =	vsel vm11, s0, v3  }
0xb3: {  	v38 =	vmov s25;
	s26 =	sshra.s32 s5, $0x1F;
	v5 =	vsel vm0, s28, v5;
	s28 =	smulhi.u32 $0x431BDE83, s1;
	s1 =	sshra.s32 s1, $0x1F;
	v3 =	vsel vm2, s6, v3  }
0xb4: {  	v4 =	vcombine.low v6, v4;
	s31 =	sshrl.u32 s2, $0x1F;
	s3 =	sadd.s32 s22, s3;
	v5 =	vsel vm1, s8, v5;
	s1 =	smul.u32 $0x431BDE83, s1;
	v3 =	vsel vm12, s9, v3  }
0xb5: {  	v7 =	vsel vm0, s29, v38;
	s8 =	sshrl.u32 s3, $0x1F;
	v5 =	vsel vm2, s31, v5;
	s31 =	sshrl.u32 s5, $0x1F;
	s5 =	sshra.s32 s21, $0x12;
	v3 =	vsel vm4, s23, v3  }
0xb6: {  	v5 =	vsel vm4, s31, v5;
	s1 =	sadd.s32 s1, s28;
	s28 =	sshra.s32 s13, $0x12;
	v7 =	vsel vm1, s5, v7;
	s30 =	sshra.s32 s3, $0x12;
	v3 =	vsel vm13, s26, v3  }
0xb7: {  	s31 =	sshra.s32 s14, $0x12;
	v5 =	vsel vm5, s8, v5;
	s22 =	sshrl.u32 s1, $0x1F;
	v6 =	vsel vm0, s28, v37;
	s6 =	sshra.s32 s3, $0x1F;
	v3 =	vsel vm5, s30, v3  }
0xb8: {  	s7 =	sshra.s32 s15, $0x12;
	s8 =	sshra.s32 s18, $0x12;
	v5 =	vsel vm6, s22, v5;
	v6 =	vsel vm1, s31, v6;
	s9 =	sshra.s32 s1, $0x12;
	v3 =	vsel vm14, s6, v3  }
0xb9: {  	s13 =	sshrl.u32 s19, $0x1F;
	s14 =	sshra.s32 s1, $0x1F;
	v7 =	vsel vm2, s8, v7;
	v6 =	vsel vm2, s7, v6;
	v3 =	vsel vm6, s9, v3  }
0xba: {  	s15 =	sshra.s32 s19, $0x12;
	v5 =	vsel vm7, s13, v5;
	v6 =	vcombine.low v7, v6;
	v3 =	vsel vm15, s14, v3  }
0xbb: {  	v4 =	vperm.xlane v4, v0;
	v5 =	vperm.xlane v5, v1;
	v3 =	vsel vm7, s15, v3  }
0xbc: {  	v6 =	vperm.xlane v6, v0;
	v3 =	vperm.xlane v3, v1;
	_ =	sdelay $0x1  }
0xbd: {  	v4 =	vsel vm8, v5, v4;
	v3 =	vsel vm8, v3, v6  }
0xbe: {  	v3 =	vadd.s32 v4, v3  }
0xbf: {  	v3 =	vmul.u32 $0xF4240, v3;
	_ =	sdelay $0x1  }
0xc0: {  	v2 =	vsub.s32 v2, v3  }
0xc1: {  	[tilespmem:s12+$0xFFFFFFE0] =	vst v2;
	v2 =	vld [tilespmem:s12+$0xFFFFFFF0];
	_ =	sdelay $0x4  }
0xc2: {  	(v2sf) =	vpush v2, $0xD;
	_ =	sdelay $0x1  }
0xc3: {  	(v2sf) =	vpush v2, $0xC;
	_ =	sdelay $0x1  }
0xc4: {  	(v2sf) =	vpush v2, $0xE;
	_ =	sdelay $0x1  }
0xc5: {  	(v2sf) =	vpush v2, $0xF;
	_ =	sdelay $0x1  }
0xc6: {  	(v2sf) =	vpush v2, $0x9;
	_ =	sdelay $0x1  }
0xc7: {  	(v2sf) =	vpush v2, $0x8;
	_ =	sdelay $0x1  }
0xc8: {  	(v2sf) =	vpush v2, $0xA;
	_ =	sdelay $0x1  }
0xc9: {  	(v2sf) =	vpush v2, $0xB  }
0xca: {  	s16 =	spop (v2sf)  }
0xcb: {  	(v2sf) =	vpush v2, $0x0;
	s17 =	smulhi.u32 $0x431BDE83, s16;
	s0 =	sshra.s32 s16, $0x1F  }
0xcc: {  	(v2sf) =	vpush v2, $0x1;
	s18 =	spop (v2sf);
	s0 =	smul.u32 $0x431BDE83, s0  }
0xcd: {  	(v2sf) =	vpush v2, $0x2;
	s19 =	smulhi.u32 $0x431BDE83, s18;
	s2 =	sshra.s32 s18, $0x1F  }
0xce: {  	(v2sf) =	vpush v2, $0x3;
	s20 =	spop (v2sf);
	s2 =	smul.u32 $0x431BDE83, s2  }
0xcf: {  	(v2sf) =	vpush v2, $0x4;
	s21 =	smulhi.u32 $0x431BDE83, s20;
	s4 =	sshra.s32 s20, $0x1F  }
0xd0: {  	(v2sf) =	vpush v2, $0x5;
	s22 =	spop (v2sf);
	s4 =	smul.u32 $0x431BDE83, s4  }
0xd1: {  	(v2sf) =	vpush v2, $0x6;
	s23 =	smulhi.u32 $0x431BDE83, s22;
	s25 =	sshra.s32 s22, $0x1F  }
0xd2: {  	s13 =	sadd.s32 s0, s17;
	s26 =	spop (v2sf);
	(v2sf) =	vpush v2, $0x7;
	s1 =	smul.u32 $0x431BDE83, s25  }
0xd3: {  	s22 =	sshrl.u32 s13, $0x1F;
	s28 =	smulhi.u32 $0x431BDE83, s26;
	s29 =	sshra.s32 s26, $0x1F  }
0xd4: {  	s16 =	sadd.s32 s2, s19;
	s30 =	spop (v2sf);
	s3 =	smul.u32 $0x431BDE83, s29  }
0xd5: {  	s6 =	sshrl.u32 s16, $0x1F;
	s31 =	smulhi.u32 $0x431BDE83, s30;
	s19 =	sshra.s32 s30, $0x1F  }
0xd6: {  	s14 =	sadd.s32 s4, s21;
	s20 =	spop (v2sf);
	s5 =	smul.u32 $0x431BDE83, s19  }
0xd7: {  	s24 =	sshrl.u32 s14, $0x1F;
	s21 =	smulhi.u32 $0x431BDE83, s20;
	s8 =	sshra.s32 s20, $0x1F  }
0xd8: {  	s15 =	sadd.s32 s1, s23;
	s9 =	spop (v2sf);
	s1 =	smul.u32 $0x431BDE83, s8  }
0xd9: {  	s17 =	sadd.s32 s3, s28;
	s18 =	smulhi.u32 $0x431BDE83, s9;
	s28 =	sshra.s32 s9, $0x1F  }
0xda: {  	s25 =	sshrl.u32 s15, $0x1F;
	s29 =	spop (v2sf);
	s3 =	smul.u32 $0x431BDE83, s28  }
0xdb: {  	v39 =	vmov s6;
	s23 =	sshrl.u32 s17, $0x1F;
	s8 =	smulhi.u32 $0x431BDE83, s29;
	s30 =	spop (v2sf)  }
0xdc: {  	v4 =	vsel vm0, s22, v39;
	s7 =	sshra.s32 s29, $0x1F;
	s20 =	sadd.s32 s5, s31;
	s31 =	spop (v2sf)  }
0xdd: {  	v4 =	vsel vm1, s24, v4;
	s24 =	sshra.s32 s16, $0x12;
	s4 =	smul.u32 $0x431BDE83, s7;
	s19 =	spop (v2sf)  }
0xde: {  	s7 =	smulhi.u32 $0x431BDE83, s30;
	s9 =	sshra.s32 s30, $0x1F;
	s28 =	spop (v2sf)  }
0xdf: {  	s21 =	sadd.s32 s1, s21;
	s9 =	smul.u32 $0x431BDE83, s9;
	s30 =	spop (v2sf)  }
0xe0: {  	s29 =	smulhi.u32 $0x431BDE83, s31;
	s5 =	sshra.s32 s31, $0x1F;
	s1 =	spop (v2sf)  }
0xe1: {  	s26 =	sshrl.u32 s20, $0x1F;
	s0 =	smul.u32 $0x431BDE83, s5;
	s5 =	spop (v2sf)  }
0xe2: {  	s18 =	sadd.s32 s3, s18;
	s31 =	smulhi.u32 $0x431BDE83, s5;
	s3 =	sshra.s32 s5, $0x1F  }
0xe3: {  	v4 =	vsel vm2, s25, v4;
	s25 =	sshra.s32 s20, $0x12;
	s4 =	sadd.s32 s4, s8;
	s3 =	smul.u32 $0x431BDE83, s3  }
0xe4: {  	s7 =	sadd.s32 s9, s7;
	s2 =	smulhi.u32 $0x431BDE83, s19;
	s19 =	sshra.s32 s19, $0x1F  }
0xe5: {  	s9 =	sshrl.u32 s21, $0x1F;
	s8 =	smul.u32 $0x431BDE83, s19;
	s19 =	sadd.s32 s3, s31  }
0xe6: {  	s0 =	sadd.s32 s0, s29;
	s29 =	sshrl.u32 s18, $0x1F;
	s31 =	sshra.s32 s19, $0x1F  }
0xe7: {  	s22 =	sshra.s32 s30, $0x1F;
	s2 =	sadd.s32 s8, s2;
	v3 =	vmov s31;
	s31 =	sshra.s32 s4, $0x12  }
0xe8: {  	v41 =	vmov s26;
	s5 =	smulhi.u32 $0x431BDE83, s28;
	s3 =	sshrl.u32 s4, $0x1F;
	s4 =	sshra.s32 s4, $0x1F;
	v3 =	vsel vm3, s31, v3  }
0xe9: {  	v6 =	vsel vm0, s23, v41;
	s8 =	sshra.s32 s28, $0x1F;
	v40 =	vmov s3;
	s3 =	smulhi.u32 $0x431BDE83, s30;
	s30 =	sshra.s32 s7, $0x12;
	v3 =	vsel vm9, s4, v3  }
0xea: {  	v6 =	vsel vm1, s9, v6;
	s28 =	sshrl.u32 s7, $0x1F;
	s6 =	smul.u32 $0x431BDE83, s8;
	s7 =	sshra.s32 s7, $0x1F;
	v3 =	vsel vm0, s30, v3  }
0xeb: {  	v6 =	vsel vm2, s29, v6;
	s29 =	sshra.s32 s17, $0x12;
	s22 =	smul.u32 $0x431BDE83, s22;
	s30 =	sshra.s32 s0, $0x12;
	v3 =	vsel vm10, s7, v3  }
0xec: {  	s8 =	sshrl.u32 s0, $0x1F;
	s5 =	sadd.s32 s6, s5;
	s0 =	sshra.s32 s0, $0x1F;
	v3 =	vsel vm1, s30, v3  }
0xed: {  	v42 =	vmov s24;
	s9 =	sshra.s32 s2, $0x1F;
	s6 =	sshra.s32 s2, $0x12;
	s23 =	sshra.s32 s5, $0x12;
	v5 =	vnsel vm3, $0x0, v40;
	v3 =	vsel vm11, s0, v3  }
0xee: {  	v43 =	vmov s25;
	s26 =	sshra.s32 s5, $0x1F;
	v5 =	vsel vm0, s28, v5;
	s28 =	smulhi.u32 $0x431BDE83, s1;
	s1 =	sshra.s32 s1, $0x1F;
	v3 =	vsel vm2, s6, v3  }
0xef: {  	v4 =	vcombine.low v6, v4;
	s31 =	sshrl.u32 s2, $0x1F;
	s3 =	sadd.s32 s22, s3;
	v5 =	vsel vm1, s8, v5;
	s1 =	smul.u32 $0x431BDE83, s1;
	v3 =	vsel vm12, s9, v3  }
0xf0: {  	v7 =	vsel vm0, s29, v43;
	s8 =	sshrl.u32 s3, $0x1F;
	v5 =	vsel vm2, s31, v5;
	s31 =	sshrl.u32 s5, $0x1F;
	s5 =	sshra.s32 s21, $0x12;
	v3 =	vsel vm4, s23, v3  }
0xf1: {  	v5 =	vsel vm4, s31, v5;
	s1 =	sadd.s32 s1, s28;
	s28 =	sshra.s32 s13, $0x12;
	v7 =	vsel vm1, s5, v7;
	s30 =	sshra.s32 s3, $0x12;
	v3 =	vsel vm13, s26, v3  }
0xf2: {  	s31 =	sshra.s32 s14, $0x12;
	v5 =	vsel vm5, s8, v5;
	s22 =	sshrl.u32 s1, $0x1F;
	v6 =	vsel vm0, s28, v42;
	s6 =	sshra.s32 s3, $0x1F;
	v3 =	vsel vm5, s30, v3  }
0xf3: {  	s7 =	sshra.s32 s15, $0x12;
	s8 =	sshra.s32 s18, $0x12;
	v5 =	vsel vm6, s22, v5;
	v6 =	vsel vm1, s31, v6;
	s9 =	sshra.s32 s1, $0x12;
	v3 =	vsel vm14, s6, v3  }
0xf4: {  	s13 =	sshrl.u32 s19, $0x1F;
	s14 =	sshra.s32 s1, $0x1F;
	v7 =	vsel vm2, s8, v7;
	v6 =	vsel vm2, s7, v6;
	v3 =	vsel vm6, s9, v3  }
0xf5: {  	s15 =	sshra.s32 s19, $0x12;
	v5 =	vsel vm7, s13, v5;
	v6 =	vcombine.low v7, v6;
	v3 =	vsel vm15, s14, v3  }
0xf6: {  	v4 =	vperm.xlane v4, v0;
	v5 =	vperm.xlane v5, v1;
	v3 =	vsel vm7, s15, v3  }
0xf7: {  	v6 =	vperm.xlane v6, v0;
	v3 =	vperm.xlane v3, v1;
	_ =	sdelay $0x1  }
0xf8: {  	v4 =	vsel vm8, v5, v4;
	v3 =	vsel vm8, v3, v6  }
0xf9: {  	v3 =	vadd.s32 v4, v3  }
0xfa: {  	v3 =	vmul.u32 $0xF4240, v3;
	_ =	sdelay $0x1  }
0xfb: {  	v2 =	vsub.s32 v2, v3  }
0xfc: {  	[tilespmem:s12+$0xFFFFFFF0] =	vst v2;
	v2 =	vld [tilespmem:s12+$0x0];
	_ =	sdelay $0x4  }
0xfd: {  	(v2sf) =	vpush v2, $0xD;
	_ =	sdelay $0x1  }
0xfe: {  	(v2sf) =	vpush v2, $0xC;
	_ =	sdelay $0x1  }
0xff: {  	(v2sf) =	vpush v2, $0xE;
	_ =	sdelay $0x1  }
0x100: {  	(v2sf) =	vpush v2, $0xF;
	_ =	sdelay $0x1  }
0x101: {  	(v2sf) =	vpush v2, $0x9;
	_ =	sdelay $0x1  }
0x102: {  	(v2sf) =	vpush v2, $0x8;
	_ =	sdelay $0x1  }
0x103: {  	(v2sf) =	vpush v2, $0xA;
	_ =	sdelay $0x1  }
0x104: {  	(v2sf) =	vpush v2, $0xB  }
0x105: {  	s16 =	spop (v2sf)  }
0x106: {  	(v2sf) =	vpush v2, $0x0;
	s17 =	smulhi.u32 $0x431BDE83, s16;
	s0 =	sshra.s32 s16, $0x1F  }
0x107: {  	(v2sf) =	vpush v2, $0x1;
	s18 =	spop (v2sf);
	s0 =	smul.u32 $0x431BDE83, s0  }
0x108: {  	(v2sf) =	vpush v2, $0x2;
	s19 =	smulhi.u32 $0x431BDE83, s18;
	s2 =	sshra.s32 s18, $0x1F  }
0x109: {  	(v2sf) =	vpush v2, $0x3;
	s20 =	spop (v2sf);
	s2 =	smul.u32 $0x431BDE83, s2  }
0x10a: {  	(v2sf) =	vpush v2, $0x4;
	s21 =	smulhi.u32 $0x431BDE83, s20;
	s4 =	sshra.s32 s20, $0x1F  }
0x10b: {  	(v2sf) =	vpush v2, $0x5;
	s22 =	spop (v2sf);
	s4 =	smul.u32 $0x431BDE83, s4  }
0x10c: {  	(v2sf) =	vpush v2, $0x6;
	s23 =	smulhi.u32 $0x431BDE83, s22;
	s25 =	sshra.s32 s22, $0x1F  }
0x10d: {  	s13 =	sadd.s32 s0, s17;
	s26 =	spop (v2sf);
	(v2sf) =	vpush v2, $0x7;
	s1 =	smul.u32 $0x431BDE83, s25  }
0x10e: {  	s22 =	sshrl.u32 s13, $0x1F;
	s28 =	smulhi.u32 $0x431BDE83, s26;
	s29 =	sshra.s32 s26, $0x1F  }
0x10f: {  	s16 =	sadd.s32 s2, s19;
	s30 =	spop (v2sf);
	s3 =	smul.u32 $0x431BDE83, s29  }
0x110: {  	s6 =	sshrl.u32 s16, $0x1F;
	s31 =	smulhi.u32 $0x431BDE83, s30;
	s19 =	sshra.s32 s30, $0x1F  }
0x111: {  	s14 =	sadd.s32 s4, s21;
	s20 =	spop (v2sf);
	s5 =	smul.u32 $0x431BDE83, s19  }
0x112: {  	s24 =	sshrl.u32 s14, $0x1F;
	s21 =	smulhi.u32 $0x431BDE83, s20;
	s8 =	sshra.s32 s20, $0x1F  }
0x113: {  	s15 =	sadd.s32 s1, s23;
	s9 =	spop (v2sf);
	s1 =	smul.u32 $0x431BDE83, s8  }
0x114: {  	s17 =	sadd.s32 s3, s28;
	s18 =	smulhi.u32 $0x431BDE83, s9;
	s28 =	sshra.s32 s9, $0x1F  }
0x115: {  	s25 =	sshrl.u32 s15, $0x1F;
	s29 =	spop (v2sf);
	s3 =	smul.u32 $0x431BDE83, s28  }
0x116: {  	v44 =	vmov s6;
	s23 =	sshrl.u32 s17, $0x1F;
	s8 =	smulhi.u32 $0x431BDE83, s29;
	s30 =	spop (v2sf)  }
0x117: {  	v4 =	vsel vm0, s22, v44;
	s7 =	sshra.s32 s29, $0x1F;
	s20 =	sadd.s32 s5, s31;
	s31 =	spop (v2sf)  }
0x118: {  	v4 =	vsel vm1, s24, v4;
	s24 =	sshra.s32 s16, $0x12;
	s4 =	smul.u32 $0x431BDE83, s7;
	s19 =	spop (v2sf)  }
0x119: {  	s7 =	smulhi.u32 $0x431BDE83, s30;
	s9 =	sshra.s32 s30, $0x1F;
	s28 =	spop (v2sf)  }
0x11a: {  	s21 =	sadd.s32 s1, s21;
	s9 =	smul.u32 $0x431BDE83, s9;
	s30 =	spop (v2sf)  }
0x11b: {  	s29 =	smulhi.u32 $0x431BDE83, s31;
	s5 =	sshra.s32 s31, $0x1F;
	s1 =	spop (v2sf)  }
0x11c: {  	s26 =	sshrl.u32 s20, $0x1F;
	s0 =	smul.u32 $0x431BDE83, s5;
	s5 =	spop (v2sf)  }
0x11d: {  	s18 =	sadd.s32 s3, s18;
	s31 =	smulhi.u32 $0x431BDE83, s5;
	s3 =	sshra.s32 s5, $0x1F  }
0x11e: {  	v4 =	vsel vm2, s25, v4;
	s25 =	sshra.s32 s20, $0x12;
	s4 =	sadd.s32 s4, s8;
	s3 =	smul.u32 $0x431BDE83, s3  }
0x11f: {  	s7 =	sadd.s32 s9, s7;
	s2 =	smulhi.u32 $0x431BDE83, s19;
	s19 =	sshra.s32 s19, $0x1F  }
0x120: {  	s9 =	sshrl.u32 s21, $0x1F;
	s8 =	smul.u32 $0x431BDE83, s19;
	s19 =	sadd.s32 s3, s31  }
0x121: {  	s0 =	sadd.s32 s0, s29;
	s29 =	sshrl.u32 s18, $0x1F;
	s31 =	sshra.s32 s19, $0x1F  }
0x122: {  	s22 =	sshra.s32 s30, $0x1F;
	s2 =	sadd.s32 s8, s2;
	v3 =	vmov s31;
	s31 =	sshra.s32 s4, $0x12  }
0x123: {  	v46 =	vmov s26;
	s5 =	smulhi.u32 $0x431BDE83, s28;
	s3 =	sshrl.u32 s4, $0x1F;
	s4 =	sshra.s32 s4, $0x1F;
	v3 =	vsel vm3, s31, v3  }
0x124: {  	v6 =	vsel vm0, s23, v46;
	s8 =	sshra.s32 s28, $0x1F;
	v45 =	vmov s3;
	s3 =	smulhi.u32 $0x431BDE83, s30;
	s30 =	sshra.s32 s7, $0x12;
	v3 =	vsel vm9, s4, v3  }
0x125: {  	v6 =	vsel vm1, s9, v6;
	s28 =	sshrl.u32 s7, $0x1F;
	s6 =	smul.u32 $0x431BDE83, s8;
	s7 =	sshra.s32 s7, $0x1F;
	v3 =	vsel vm0, s30, v3  }
0x126: {  	v6 =	vsel vm2, s29, v6;
	s29 =	sshra.s32 s17, $0x12;
	s22 =	smul.u32 $0x431BDE83, s22;
	s30 =	sshra.s32 s0, $0x12;
	v3 =	vsel vm10, s7, v3  }
0x127: {  	s8 =	sshrl.u32 s0, $0x1F;
	s5 =	sadd.s32 s6, s5;
	s0 =	sshra.s32 s0, $0x1F;
	v3 =	vsel vm1, s30, v3  }
0x128: {  	v47 =	vmov s24;
	s9 =	sshra.s32 s2, $0x1F;
	s6 =	sshra.s32 s2, $0x12;
	s23 =	sshra.s32 s5, $0x12;
	v5 =	vnsel vm3, $0x0, v45;
	v3 =	vsel vm11, s0, v3  }
0x129: {  	v48 =	vmov s25;
	s26 =	sshra.s32 s5, $0x1F;
	v5 =	vsel vm0, s28, v5;
	s28 =	smulhi.u32 $0x431BDE83, s1;
	s1 =	sshra.s32 s1, $0x1F;
	v3 =	vsel vm2, s6, v3  }
0x12a: {  	v4 =	vcombine.low v6, v4;
	s31 =	sshrl.u32 s2, $0x1F;
	s3 =	sadd.s32 s22, s3;
	v5 =	vsel vm1, s8, v5;
	s1 =	smul.u32 $0x431BDE83, s1;
	v3 =	vsel vm12, s9, v3  }
0x12b: {  	v7 =	vsel vm0, s29, v48;
	s8 =	sshrl.u32 s3, $0x1F;
	v5 =	vsel vm2, s31, v5;
	s31 =	sshrl.u32 s5, $0x1F;
	s5 =	sshra.s32 s21, $0x12;
	v3 =	vsel vm4, s23, v3  }
0x12c: {  	v5 =	vsel vm4, s31, v5;
	s1 =	sadd.s32 s1, s28;
	s28 =	sshra.s32 s13, $0x12;
	v7 =	vsel vm1, s5, v7;
	s30 =	sshra.s32 s3, $0x12;
	v3 =	vsel vm13, s26, v3  }
0x12d: {  	s31 =	sshra.s32 s14, $0x12;
	v5 =	vsel vm5, s8, v5;
	s22 =	sshrl.u32 s1, $0x1F;
	v6 =	vsel vm0, s28, v47;
	s6 =	sshra.s32 s3, $0x1F;
	v3 =	vsel vm5, s30, v3  }
0x12e: {  	s7 =	sshra.s32 s15, $0x12;
	s8 =	sshra.s32 s18, $0x12;
	v5 =	vsel vm6, s22, v5;
	v6 =	vsel vm1, s31, v6;
	s9 =	sshra.s32 s1, $0x12;
	v3 =	vsel vm14, s6, v3  }
0x12f: {  	s13 =	sshrl.u32 s19, $0x1F;
	s14 =	sshra.s32 s1, $0x1F;
	v7 =	vsel vm2, s8, v7;
	v6 =	vsel vm2, s7, v6;
	v3 =	vsel vm6, s9, v3  }
0x130: {  	s15 =	sshra.s32 s19, $0x12;
	v5 =	vsel vm7, s13, v5;
	v6 =	vcombine.low v7, v6;
	v3 =	vsel vm15, s14, v3  }
0x131: {  	v4 =	vperm.xlane v4, v0;
	v5 =	vperm.xlane v5, v1;
	v3 =	vsel vm7, s15, v3  }
0x132: {  	v6 =	vperm.xlane v6, v0;
	v3 =	vperm.xlane v3, v1;
	_ =	sdelay $0x1  }
0x133: {  	v4 =	vsel vm8, v5, v4;
	v3 =	vsel vm8, v3, v6  }
0x134: {  	v3 =	vadd.s32 v4, v3  }
0x135: {  	v3 =	vmul.u32 $0xF4240, v3;
	_ =	sdelay $0x1  }
0x136: {  	v2 =	vsub.s32 v2, v3  }
0x137: {  	[tilespmem:s12+$0x0] =	vst v2;
	v2 =	vld [tilespmem:s12+$0x10];
	_ =	sdelay $0x4  }
0x138: {  	(v2sf) =	vpush v2, $0xD;
	_ =	sdelay $0x1  }
0x139: {  	(v2sf) =	vpush v2, $0xC;
	_ =	sdelay $0x1  }
0x13a: {  	(v2sf) =	vpush v2, $0xE;
	_ =	sdelay $0x1  }
0x13b: {  	(v2sf) =	vpush v2, $0xF;
	_ =	sdelay $0x1  }
0x13c: {  	(v2sf) =	vpush v2, $0x9;
	_ =	sdelay $0x1  }
0x13d: {  	(v2sf) =	vpush v2, $0x8;
	_ =	sdelay $0x1  }
0x13e: {  	(v2sf) =	vpush v2, $0xA;
	_ =	sdelay $0x1  }
0x13f: {  	(v2sf) =	vpush v2, $0xB  }
0x140: {  	s16 =	spop (v2sf)  }
0x141: {  	(v2sf) =	vpush v2, $0x0;
	s17 =	smulhi.u32 $0x431BDE83, s16;
	s0 =	sshra.s32 s16, $0x1F  }
0x142: {  	(v2sf) =	vpush v2, $0x1;
	s18 =	spop (v2sf);
	s0 =	smul.u32 $0x431BDE83, s0  }
0x143: {  	(v2sf) =	vpush v2, $0x2;
	s19 =	smulhi.u32 $0x431BDE83, s18;
	s2 =	sshra.s32 s18, $0x1F  }
0x144: {  	(v2sf) =	vpush v2, $0x3;
	s20 =	spop (v2sf);
	s2 =	smul.u32 $0x431BDE83, s2  }
0x145: {  	(v2sf) =	vpush v2, $0x4;
	s21 =	smulhi.u32 $0x431BDE83, s20;
	s4 =	sshra.s32 s20, $0x1F  }
0x146: {  	(v2sf) =	vpush v2, $0x5;
	s22 =	spop (v2sf);
	s4 =	smul.u32 $0x431BDE83, s4  }
0x147: {  	(v2sf) =	vpush v2, $0x6;
	s23 =	smulhi.u32 $0x431BDE83, s22;
	s25 =	sshra.s32 s22, $0x1F  }
0x148: {  	s13 =	sadd.s32 s0, s17;
	s26 =	spop (v2sf);
	(v2sf) =	vpush v2, $0x7;
	s1 =	smul.u32 $0x431BDE83, s25  }
0x149: {  	s22 =	sshrl.u32 s13, $0x1F;
	s28 =	smulhi.u32 $0x431BDE83, s26;
	s29 =	sshra.s32 s26, $0x1F  }
0x14a: {  	s16 =	sadd.s32 s2, s19;
	s30 =	spop (v2sf);
	s3 =	smul.u32 $0x431BDE83, s29  }
0x14b: {  	s6 =	sshrl.u32 s16, $0x1F;
	s31 =	smulhi.u32 $0x431BDE83, s30;
	s19 =	sshra.s32 s30, $0x1F  }
0x14c: {  	s14 =	sadd.s32 s4, s21;
	s20 =	spop (v2sf);
	s5 =	smul.u32 $0x431BDE83, s19  }
0x14d: {  	s24 =	sshrl.u32 s14, $0x1F;
	s21 =	smulhi.u32 $0x431BDE83, s20;
	s8 =	sshra.s32 s20, $0x1F  }
0x14e: {  	s15 =	sadd.s32 s1, s23;
	s9 =	spop (v2sf);
	s1 =	smul.u32 $0x431BDE83, s8  }
0x14f: {  	s17 =	sadd.s32 s3, s28;
	s18 =	smulhi.u32 $0x431BDE83, s9;
	s28 =	sshra.s32 s9, $0x1F  }
0x150: {  	s25 =	sshrl.u32 s15, $0x1F;
	s29 =	spop (v2sf);
	s3 =	smul.u32 $0x431BDE83, s28  }
0x151: {  	v49 =	vmov s6;
	s23 =	sshrl.u32 s17, $0x1F;
	s8 =	smulhi.u32 $0x431BDE83, s29;
	s30 =	spop (v2sf)  }
0x152: {  	v4 =	vsel vm0, s22, v49;
	s7 =	sshra.s32 s29, $0x1F;
	s20 =	sadd.s32 s5, s31;
	s31 =	spop (v2sf)  }
0x153: {  	v4 =	vsel vm1, s24, v4;
	s24 =	sshra.s32 s16, $0x12;
	s4 =	smul.u32 $0x431BDE83, s7;
	s19 =	spop (v2sf)  }
0x154: {  	s7 =	smulhi.u32 $0x431BDE83, s30;
	s9 =	sshra.s32 s30, $0x1F;
	s28 =	spop (v2sf)  }
0x155: {  	s21 =	sadd.s32 s1, s21;
	s9 =	smul.u32 $0x431BDE83, s9;
	s30 =	spop (v2sf)  }
0x156: {  	s29 =	smulhi.u32 $0x431BDE83, s31;
	s5 =	sshra.s32 s31, $0x1F;
	s1 =	spop (v2sf)  }
0x157: {  	s26 =	sshrl.u32 s20, $0x1F;
	s0 =	smul.u32 $0x431BDE83, s5;
	s5 =	spop (v2sf)  }
0x158: {  	s18 =	sadd.s32 s3, s18;
	s31 =	smulhi.u32 $0x431BDE83, s5;
	s3 =	sshra.s32 s5, $0x1F  }
0x159: {  	v4 =	vsel vm2, s25, v4;
	s25 =	sshra.s32 s20, $0x12;
	s4 =	sadd.s32 s4, s8;
	s3 =	smul.u32 $0x431BDE83, s3  }
0x15a: {  	s7 =	sadd.s32 s9, s7;
	s2 =	smulhi.u32 $0x431BDE83, s19;
	s19 =	sshra.s32 s19, $0x1F  }
0x15b: {  	s9 =	sshrl.u32 s21, $0x1F;
	s8 =	smul.u32 $0x431BDE83, s19;
	s19 =	sadd.s32 s3, s31  }
0x15c: {  	s0 =	sadd.s32 s0, s29;
	s29 =	sshrl.u32 s18, $0x1F;
	s31 =	sshra.s32 s19, $0x1F  }
0x15d: {  	s22 =	sshra.s32 s30, $0x1F;
	s2 =	sadd.s32 s8, s2;
	v3 =	vmov s31;
	s31 =	sshra.s32 s4, $0x12  }
0x15e: {  	v51 =	vmov s26;
	s5 =	smulhi.u32 $0x431BDE83, s28;
	s3 =	sshrl.u32 s4, $0x1F;
	s4 =	sshra.s32 s4, $0x1F;
	v3 =	vsel vm3, s31, v3  }
0x15f: {  	v6 =	vsel vm0, s23, v51;
	s8 =	sshra.s32 s28, $0x1F;
	v50 =	vmov s3;
	s3 =	smulhi.u32 $0x431BDE83, s30;
	s30 =	sshra.s32 s7, $0x12;
	v3 =	vsel vm9, s4, v3  }
0x160: {  	v6 =	vsel vm1, s9, v6;
	s28 =	sshrl.u32 s7, $0x1F;
	s6 =	smul.u32 $0x431BDE83, s8;
	s7 =	sshra.s32 s7, $0x1F;
	v3 =	vsel vm0, s30, v3  }
0x161: {  	v6 =	vsel vm2, s29, v6;
	s29 =	sshra.s32 s17, $0x12;
	s22 =	smul.u32 $0x431BDE83, s22;
	s30 =	sshra.s32 s0, $0x12;
	v3 =	vsel vm10, s7, v3  }
0x162: {  	s8 =	sshrl.u32 s0, $0x1F;
	s5 =	sadd.s32 s6, s5;
	s0 =	sshra.s32 s0, $0x1F;
	v3 =	vsel vm1, s30, v3  }
0x163: {  	v52 =	vmov s24;
	s9 =	sshra.s32 s2, $0x1F;
	s6 =	sshra.s32 s2, $0x12;
	s23 =	sshra.s32 s5, $0x12;
	v5 =	vnsel vm3, $0x0, v50;
	v3 =	vsel vm11, s0, v3  }
0x164: {  	v53 =	vmov s25;
	s26 =	sshra.s32 s5, $0x1F;
	v5 =	vsel vm0, s28, v5;
	s28 =	smulhi.u32 $0x431BDE83, s1;
	s1 =	sshra.s32 s1, $0x1F;
	v3 =	vsel vm2, s6, v3  }
0x165: {  	v4 =	vcombine.low v6, v4;
	s31 =	sshrl.u32 s2, $0x1F;
	s3 =	sadd.s32 s22, s3;
	v5 =	vsel vm1, s8, v5;
	s1 =	smul.u32 $0x431BDE83, s1;
	v3 =	vsel vm12, s9, v3  }
0x166: {  	v7 =	vsel vm0, s29, v53;
	s8 =	sshrl.u32 s3, $0x1F;
	v5 =	vsel vm2, s31, v5;
	s31 =	sshrl.u32 s5, $0x1F;
	s5 =	sshra.s32 s21, $0x12;
	v3 =	vsel vm4, s23, v3  }
0x167: {  	v5 =	vsel vm4, s31, v5;
	s1 =	sadd.s32 s1, s28;
	s28 =	sshra.s32 s13, $0x12;
	v7 =	vsel vm1, s5, v7;
	s30 =	sshra.s32 s3, $0x12;
	v3 =	vsel vm13, s26, v3  }
0x168: {  	s31 =	sshra.s32 s14, $0x12;
	v5 =	vsel vm5, s8, v5;
	s22 =	sshrl.u32 s1, $0x1F;
	v6 =	vsel vm0, s28, v52;
	s6 =	sshra.s32 s3, $0x1F;
	v3 =	vsel vm5, s30, v3  }
0x169: {  	s7 =	sshra.s32 s15, $0x12;
	s8 =	sshra.s32 s18, $0x12;
	v5 =	vsel vm6, s22, v5;
	v6 =	vsel vm1, s31, v6;
	s9 =	sshra.s32 s1, $0x12;
	v3 =	vsel vm14, s6, v3  }
0x16a: {  	s13 =	sshrl.u32 s19, $0x1F;
	s14 =	sshra.s32 s1, $0x1F;
	v7 =	vsel vm2, s8, v7;
	v6 =	vsel vm2, s7, v6;
	v3 =	vsel vm6, s9, v3  }
0x16b: {  	s15 =	sshra.s32 s19, $0x12;
	v5 =	vsel vm7, s13, v5;
	v6 =	vcombine.low v7, v6;
	v3 =	vsel vm15, s14, v3  }
0x16c: {  	v4 =	vperm.xlane v4, v0;
	v5 =	vperm.xlane v5, v1;
	v3 =	vsel vm7, s15, v3  }
0x16d: {  	v6 =	vperm.xlane v6, v0;
	v3 =	vperm.xlane v3, v1;
	_ =	sdelay $0x1  }
0x16e: {  	v4 =	vsel vm8, v5, v4;
	v3 =	vsel vm8, v3, v6  }
0x16f: {  	v3 =	vadd.s32 v4, v3  }
0x170: {  	v3 =	vmul.u32 $0xF4240, v3;
	_ =	sdelay $0x1  }
0x171: {  	v2 =	vsub.s32 v2, v3  }
0x172: {  	[tilespmem:s12+$0x10] =	vst v2;
	v2 =	vld [tilespmem:s12+$0x20];
	_ =	sdelay $0x4  }
0x173: {  	(v2sf) =	vpush v2, $0xD;
	_ =	sdelay $0x1  }
0x174: {  	(v2sf) =	vpush v2, $0xC;
	_ =	sdelay $0x1  }
0x175: {  	(v2sf) =	vpush v2, $0xE;
	_ =	sdelay $0x1  }
0x176: {  	(v2sf) =	vpush v2, $0xF;
	_ =	sdelay $0x1  }
0x177: {  	(v2sf) =	vpush v2, $0x9;
	_ =	sdelay $0x1  }
0x178: {  	(v2sf) =	vpush v2, $0x8;
	_ =	sdelay $0x1  }
0x179: {  	(v2sf) =	vpush v2, $0xA;
	_ =	sdelay $0x1  }
0x17a: {  	(v2sf) =	vpush v2, $0xB  }
0x17b: {  	s16 =	spop (v2sf)  }
0x17c: {  	(v2sf) =	vpush v2, $0x0;
	s17 =	smulhi.u32 $0x431BDE83, s16;
	s0 =	sshra.s32 s16, $0x1F  }
0x17d: {  	(v2sf) =	vpush v2, $0x1;
	s18 =	spop (v2sf);
	s0 =	smul.u32 $0x431BDE83, s0  }
0x17e: {  	(v2sf) =	vpush v2, $0x2;
	s19 =	smulhi.u32 $0x431BDE83, s18;
	s2 =	sshra.s32 s18, $0x1F  }
0x17f: {  	(v2sf) =	vpush v2, $0x3;
	s20 =	spop (v2sf);
	s2 =	smul.u32 $0x431BDE83, s2  }
0x180: {  	(v2sf) =	vpush v2, $0x4;
	s21 =	smulhi.u32 $0x431BDE83, s20;
	s4 =	sshra.s32 s20, $0x1F  }
0x181: {  	s22 =	spop (v2sf);
	(v2sf) =	vpush v2, $0x5;
	s4 =	smul.u32 $0x431BDE83, s4  }
0x182: {  	s23 =	smulhi.u32 $0x431BDE83, s22;
	s25 =	sshra.s32 s22, $0x1F;
	(v2sf) =	vpush v2, $0x6  }
0x183: {  	s13 =	sadd.s32 s0, s17;
	s26 =	spop (v2sf);
	s1 =	smul.u32 $0x431BDE83, s25;
	(v2sf) =	vpush v2, $0x7  }
0x184: {  	s22 =	sshrl.u32 s13, $0x1F;
	s28 =	smulhi.u32 $0x431BDE83, s26;
	s29 =	sshra.s32 s26, $0x1F  }
0x185: {  	s16 =	sadd.s32 s2, s19;
	s30 =	spop (v2sf);
	s3 =	smul.u32 $0x431BDE83, s29  }
0x186: {  	s6 =	sshrl.u32 s16, $0x1F;
	s31 =	smulhi.u32 $0x431BDE83, s30;
	s19 =	sshra.s32 s30, $0x1F  }
0x187: {  	s14 =	sadd.s32 s4, s21;
	s20 =	spop (v2sf);
	s5 =	smul.u32 $0x431BDE83, s19  }
0x188: {  	s24 =	sshrl.u32 s14, $0x1F;
	s21 =	smulhi.u32 $0x431BDE83, s20;
	s8 =	sshra.s32 s20, $0x1F  }
0x189: {  	s15 =	sadd.s32 s1, s23;
	s9 =	spop (v2sf);
	s1 =	smul.u32 $0x431BDE83, s8  }
0x18a: {  	s17 =	sadd.s32 s3, s28;
	s18 =	smulhi.u32 $0x431BDE83, s9;
	s28 =	sshra.s32 s9, $0x1F  }
0x18b: {  	s25 =	sshrl.u32 s15, $0x1F;
	s29 =	spop (v2sf);
	s3 =	smul.u32 $0x431BDE83, s28  }
0x18c: {  	s8 =	smulhi.u32 $0x431BDE83, s29;
	s7 =	sshra.s32 s29, $0x1F;
	s30 =	spop (v2sf)  }
0x18d: {  	s20 =	sadd.s32 s5, s31;
	s4 =	smul.u32 $0x431BDE83, s7;
	s31 =	spop (v2sf)  }
0x18e: {  	s7 =	smulhi.u32 $0x431BDE83, s30;
	s9 =	sshra.s32 s30, $0x1F;
	s19 =	spop (v2sf)  }
0x18f: {  	s23 =	sshrl.u32 s17, $0x1F;
	s9 =	smul.u32 $0x431BDE83, s9;
	s28 =	spop (v2sf)  }
0x190: {  	s29 =	smulhi.u32 $0x431BDE83, s31;
	s5 =	sshra.s32 s31, $0x1F;
	s30 =	spop (v2sf)  }
0x191: {  	s21 =	sadd.s32 s1, s21;
	s0 =	smul.u32 $0x431BDE83, s5;
	s1 =	spop (v2sf)  }
0x192: {  	s26 =	sshrl.u32 s20, $0x1F;
	s2 =	smulhi.u32 $0x431BDE83, s19;
	s5 =	spop (v2sf)  }
0x193: {  	s18 =	sadd.s32 s3, s18;
	s31 =	smulhi.u32 $0x431BDE83, s5;
	s3 =	sshra.s32 s5, $0x1F  }
0x194: {  	s4 =	sadd.s32 s4, s8;
	s19 =	sshra.s32 s19, $0x1F;
	s3 =	smul.u32 $0x431BDE83, s3  }
0x195: {  	v54 =	vmov s6;
	s7 =	sadd.s32 s9, s7;
	s9 =	sshrl.u32 s21, $0x1F;
	s8 =	smul.u32 $0x431BDE83, s19  }
0x196: {  	v4 =	vsel vm0, s22, v54;
	s0 =	sadd.s32 s0, s29;
	s22 =	sshra.s32 s30, $0x1F;
	s19 =	sadd.s32 s3, s31  }
0x197: {  	s2 =	sadd.s32 s8, s2;
	s22 =	smul.u32 $0x431BDE83, s22;
	s31 =	sshra.s32 s19, $0x1F  }
0x198: {  	v4 =	vsel vm1, s24, v4;
	s8 =	sshra.s32 s28, $0x1F;
	s24 =	smulhi.u32 $0x431BDE83, s1;
	v3 =	vmov s31;
	s31 =	sshra.s32 s4, $0x12  }
0x199: {  	s5 =	smulhi.u32 $0x431BDE83, s28;
	s3 =	sshrl.u32 s4, $0x1F;
	s4 =	sshra.s32 s4, $0x1F;
	v3 =	vsel vm3, s31, v3  }
0x19a: {  	s1 =	sshra.s32 s1, $0x1F;
	v55 =	vmov s3;
	s3 =	smulhi.u32 $0x431BDE83, s30;
	s30 =	sshra.s32 s7, $0x12;
	v3 =	vsel vm9, s4, v3  }
0x19b: {  	v56 =	vmov s26;
	s28 =	sshrl.u32 s7, $0x1F;
	s6 =	smul.u32 $0x431BDE83, s8;
	s7 =	sshra.s32 s7, $0x1F;
	v3 =	vsel vm0, s30, v3  }
0x19c: {  	v4 =	vsel vm2, s25, v4;
	v6 =	vsel vm0, s23, v56;
	s29 =	sshrl.u32 s18, $0x1F;
	s25 =	sshra.s32 s0, $0x12;
	s1 =	smul.u32 $0x431BDE83, s1;
	v3 =	vsel vm10, s7, v3  }
0x19d: {  	v6 =	vsel vm1, s9, v6;
	s8 =	sshrl.u32 s0, $0x1F;
	s0 =	sshra.s32 s0, $0x1F;
	s5 =	sadd.s32 s6, s5;
	v5 =	vnsel vm3, $0x0, v55;
	v3 =	vsel vm1, s25, v3  }
0x19e: {  	v6 =	vsel vm2, s29, v6;
	s1 =	sadd.s32 s1, s24;
	s6 =	sshra.s32 s5, $0x12;
	v5 =	vsel vm0, s28, v5;
	s30 =	sshra.s32 s2, $0x12;
	v3 =	vsel vm11, s0, v3  }
0x19f: {  	v4 =	vcombine.low v6, v4;
	s31 =	sshrl.u32 s2, $0x1F;
	v5 =	vsel vm1, s8, v5;
	s8 =	sshra.s32 s20, $0x12;
	s2 =	sshra.s32 s2, $0x1F;
	v3 =	vsel vm2, s30, v3  }
0x1a0: {  	s28 =	sshrl.u32 s5, $0x1F;
	s3 =	sadd.s32 s22, s3;
	s20 =	sshra.s32 s17, $0x12;
	v5 =	vsel vm2, s31, v5;
	v58 =	vmov s8;
	v3 =	vsel vm12, s2, v3  }
0x1a1: {  	s9 =	sshra.s32 s5, $0x1F;
	s31 =	sshrl.u32 s3, $0x1F;
	v5 =	vsel vm4, s28, v5;
	s7 =	sshra.s32 s16, $0x12;
	v7 =	vsel vm0, s20, v58;
	v3 =	vsel vm4, s6, v3  }
0x1a2: {  	s24 =	sshra.s32 s21, $0x12;
	s22 =	sshra.s32 s3, $0x12;
	s16 =	sshra.s32 s13, $0x12;
	v5 =	vsel vm5, s31, v5;
	v57 =	vmov s7;
	v3 =	vsel vm13, s9, v3  }
0x1a3: {  	s23 =	sshra.s32 s14, $0x12;
	s4 =	sshrl.u32 s1, $0x1F;
	s25 =	sshra.s32 s3, $0x1F;
	v7 =	vsel vm1, s24, v7;
	v6 =	vsel vm0, s16, v57;
	v3 =	vsel vm5, s22, v3  }
0x1a4: {  	s26 =	sshra.s32 s15, $0x12;
	s29 =	sshra.s32 s1, $0x12;
	s28 =	sshra.s32 s18, $0x12;
	v5 =	vsel vm6, s4, v5;
	v6 =	vsel vm1, s23, v6;
	v3 =	vsel vm14, s25, v3  }
0x1a5: {  	s31 =	sshra.s32 s1, $0x1F;
	v7 =	vsel vm2, s28, v7;
	s30 =	sshrl.u32 s19, $0x1F;
	v6 =	vsel vm2, s26, v6;
	v3 =	vsel vm6, s29, v3  }
0x1a6: {  	s1 =	sshra.s32 s19, $0x12;
	v5 =	vsel vm7, s30, v5;
	v6 =	vcombine.low v7, v6;
	v3 =	vsel vm15, s31, v3  }
0x1a7: {  	v4 =	vperm.xlane v4, v0;
	v5 =	vperm.xlane v5, v1;
	v3 =	vsel vm7, s1, v3  }
0x1a8: {  	v6 =	vperm.xlane v6, v0;
	v3 =	vperm.xlane v3, v1;
	_ =	sdelay $0x1  }
0x1a9: {  	v4 =	vsel vm8, v5, v4;
	v3 =	vsel vm8, v3, v6  }
0x1aa: {  	v3 =	vadd.s32 v4, v3  }
0x1ab: {  	v3 =	vmul.u32 $0xF4240, v3;
	_ =	sdelay $0x1  }
0x1ac: {  	v2 =	vsub.s32 v2, v3  }
0x1ad: {  	[tilespmem:s12+$0x20] =	vst v2;
	v2 =	vld [tilespmem:s12+$0x30];
	_ =	sdelay $0x4  }
0x1ae: {  	(v2sf) =	vpush v2, $0xD;
	_ =	sdelay $0x1  }
0x1af: {  	(v2sf) =	vpush v2, $0xC;
	_ =	sdelay $0x1  }
0x1b0: {  	(v2sf) =	vpush v2, $0xE;
	_ =	sdelay $0x1  }
0x1b1: {  	(v2sf) =	vpush v2, $0xF;
	_ =	sdelay $0x1  }
0x1b2: {  	(v2sf) =	vpush v2, $0x9;
	_ =	sdelay $0x1  }
0x1b3: {  	(v2sf) =	vpush v2, $0x8;
	_ =	sdelay $0x1  }
0x1b4: {  	(v2sf) =	vpush v2, $0xA;
	_ =	sdelay $0x1  }
0x1b5: {  	(v2sf) =	vpush v2, $0xB  }
0x1b6: {  	s2 =	spop (v2sf)  }
0x1b7: {  	(v2sf) =	vpush v2, $0x0;
	s3 =	smulhi.u32 $0x431BDE83, s2;
	s0 =	sshra.s32 s2, $0x1F  }
0x1b8: {  	s29 =	spop (v2sf);
	s0 =	smul.u32 $0x431BDE83, s0  }
0x1b9: {  	(v2sf) =	vpush v2, $0x1;
	s30 =	smulhi.u32 $0x431BDE83, s29;
	s2 =	sshra.s32 s29, $0x1F  }
0x1ba: {  	s7 =	spop (v2sf);
	s2 =	smul.u32 $0x431BDE83, s2  }
0x1bb: {  	(v2sf) =	vpush v2, $0x2;
	s6 =	smulhi.u32 $0x431BDE83, s7;
	s4 =	sshra.s32 s7, $0x1F  }
0x1bc: {  	(v2sf) =	vpush v2, $0x3;
	s8 =	spop (v2sf);
	s4 =	smul.u32 $0x431BDE83, s4  }
0x1bd: {  	(v2sf) =	vpush v2, $0x4;
	s9 =	smulhi.u32 $0x431BDE83, s8;
	s5 =	sshra.s32 s8, $0x1F  }
0x1be: {  	(v2sf) =	vpush v2, $0x5;
	s13 =	spop (v2sf);
	s5 =	smul.u32 $0x431BDE83, s5  }
0x1bf: {  	(v2sf) =	vpush v2, $0x6;
	s17 =	smulhi.u32 $0x431BDE83, s13;
	s7 =	sshra.s32 s13, $0x1F  }
0x1c0: {  	(v2sf) =	vpush v2, $0x7;
	s14 =	spop (v2sf);
	s7 =	smul.u32 $0x431BDE83, s7  }
0x1c1: {  	s19 =	smulhi.u32 $0x431BDE83, s14;
	s8 =	sshra.s32 s14, $0x1F  }
0x1c2: {  	s15 =	spop (v2sf);
	s8 =	smul.u32 $0x431BDE83, s8  }
0x1c3: {  	s24 =	smulhi.u32 $0x431BDE83, s15;
	s13 =	sshra.s32 s15, $0x1F  }
0x1c4: {  	s14 =	sadd.s32 s0, s3;
	s16 =	spop (v2sf);
	s26 =	smul.u32 $0x431BDE83, s13  }
0x1c5: {  	s3 =	sshrl.u32 s14, $0x1F;
	s29 =	smulhi.u32 $0x431BDE83, s16;
	s31 =	sshra.s32 s16, $0x1F  }
0x1c6: {  	s18 =	spop (v2sf);
	s16 =	sadd.s32 s2, s30;
	s0 =	smul.u32 $0x431BDE83, s31  }
0x1c7: {  	s13 =	sadd.s32 s5, s9;
	s1 =	smulhi.u32 $0x431BDE83, s18;
	s15 =	sshra.s32 s18, $0x1F  }
0x1c8: {  	s20 =	spop (v2sf);
	s30 =	sshrl.u32 s16, $0x1F;
	s2 =	smul.u32 $0x431BDE83, s15  }
0x1c9: {  	s15 =	sadd.s32 s4, s6;
	s4 =	smulhi.u32 $0x431BDE83, s20;
	s20 =	sshra.s32 s20, $0x1F  }
0x1ca: {  	s9 =	sshrl.u32 s13, $0x1F;
	s21 =	spop (v2sf);
	s5 =	smul.u32 $0x431BDE83, s20  }
0x1cb: {  	s23 =	spop (v2sf);
	s20 =	sadd.s32 s7, s17;
	s6 =	smulhi.u32 $0x431BDE83, s21  }
0x1cc: {  	s18 =	sshra.s32 s21, $0x1F;
	s21 =	sadd.s32 s8, s19;
	s25 =	spop (v2sf)  }
0x1cd: {  	s17 =	sadd.s32 s0, s29;
	s7 =	smul.u32 $0x431BDE83, s18;
	s28 =	spop (v2sf)  }
0x1ce: {  	s8 =	smulhi.u32 $0x431BDE83, s23;
	s23 =	sshra.s32 s23, $0x1F;
	s22 =	spop (v2sf)  }
0x1cf: {  	s18 =	sadd.s32 s26, s24;
	s0 =	smul.u32 $0x431BDE83, s23;
	s24 =	spop (v2sf)  }
0x1d0: {  	s1 =	sadd.s32 s2, s1;
	s2 =	smulhi.u32 $0x431BDE83, s24;
	s19 =	sshra.s32 s24, $0x1F  }
0x1d1: {  	s31 =	sshrl.u32 s15, $0x1F;
	s23 =	sshrl.u32 s20, $0x1F;
	s26 =	smul.u32 $0x431BDE83, s19  }
0x1d2: {  	s4 =	sadd.s32 s5, s4;
	s29 =	smulhi.u32 $0x431BDE83, s25;
	s25 =	sshra.s32 s25, $0x1F  }
0x1d3: {  	s20 =	sshra.s32 s20, $0x12;
	s6 =	sadd.s32 s7, s6;
	s19 =	sadd.s32 s26, s2  }
0x1d4: {  	v59 =	vmov s30;
	s25 =	smul.u32 $0x431BDE83, s25;
	s30 =	sshrl.u32 s4, $0x1F;
	s5 =	sshra.s32 s19, $0x1F  }
0x1d5: {  	v4 =	vsel vm0, s3, v59;
	s3 =	smulhi.u32 $0x431BDE83, s28;
	s0 =	sadd.s32 s0, s8;
	s26 =	sshra.s32 s1, $0x12;
	v3 =	vmov s5  }
0x1d6: {  	s7 =	sadd.s32 s25, s29;
	s29 =	sshrl.u32 s1, $0x1F;
	s1 =	sshra.s32 s1, $0x1F;
	v3 =	vsel vm3, s26, v3  }
0x1d7: {  	v4 =	vsel vm1, s31, v4;
	s24 =	sshrl.u32 s21, $0x1F;
	v60 =	vmov s29;
	s26 =	sshra.s32 s28, $0x1F;
	s28 =	sshra.s32 s4, $0x12;
	v3 =	vsel vm9, s1, v3  }
0x1d8: {  	s8 =	sshrl.u32 s17, $0x1F;
	s31 =	sshra.s32 s6, $0x12;
	v5 =	vnsel vm3, $0x0, v60;
	v61 =	vmov s24;
	s4 =	sshra.s32 s4, $0x1F;
	v3 =	vsel vm0, s28, v3  }
0x1d9: {  	s29 =	sshrl.u32 s6, $0x1F;
	v5 =	vsel vm0, s30, v5;
	s30 =	sshra.s32 s22, $0x1F;
	v6 =	vsel vm0, s23, v61;
	s2 =	sshrl.u32 s18, $0x1F;
	v3 =	vsel vm10, s4, v3  }
0x1da: {  	v4 =	vsel vm2, s9, v4;
	s6 =	sshra.s32 s6, $0x1F;
	s9 =	sshra.s32 s7, $0x1F;
	s24 =	smul.u32 $0x431BDE83, s30;
	v6 =	vsel vm1, s2, v6;
	v3 =	vsel vm1, s31, v3  }
0x1db: {  	v5 =	vsel vm1, s29, v5;
	s29 =	sshra.s32 s0, $0x12;
	s5 =	smulhi.u32 $0x431BDE83, s22;
	v6 =	vsel vm2, s8, v6;
	s8 =	sshra.s32 s21, $0x12;
	v3 =	vsel vm11, s6, v3  }
0x1dc: {  	s22 =	sshrl.u32 s0, $0x1F;
	s0 =	sshra.s32 s0, $0x1F;
	v63 =	vmov s8;
	s25 =	smul.u32 $0x431BDE83, s26;
	v3 =	vsel vm2, s29, v3  }
0x1dd: {  	s23 =	sshra.s32 s18, $0x12;
	v5 =	vsel vm2, s22, v5;
	v7 =	vsel vm0, s20, v63;
	s31 =	sadd.s32 s24, s5;
	s5 =	sshra.s32 s7, $0x12;
	v3 =	vsel vm12, s0, v3  }
0x1de: {  	v4 =	vcombine.low v6, v4;
	s28 =	sshrl.u32 s7, $0x1F;
	v7 =	vsel vm1, s23, v7;
	s26 =	sadd.s32 s25, s3;
	s6 =	sshra.s32 s16, $0x12;
	v3 =	vsel vm4, s5, v3  }
0x1df: {  	v5 =	vsel vm4, s28, v5;
	s30 =	sshrl.u32 s26, $0x1F;
	s21 =	sshra.s32 s26, $0x12;
	s16 =	sshra.s32 s14, $0x12;
	v62 =	vmov s6;
	v3 =	vsel vm13, s9, v3  }
0x1e0: {  	s22 =	sshra.s32 s15, $0x12;
	s24 =	sshra.s32 s26, $0x1F;
	s26 =	sshra.s32 s17, $0x12;
	v5 =	vsel vm5, s30, v5;
	v6 =	vsel vm0, s16, v62;
	v3 =	vsel vm5, s21, v3  }
0x1e1: {  	s25 =	sshra.s32 s13, $0x12;
	s4 =	sshrl.u32 s31, $0x1F;
	s28 =	sshra.s32 s31, $0x12;
	v7 =	vsel vm2, s26, v7;
	v6 =	vsel vm1, s22, v6;
	v3 =	vsel vm14, s24, v3  }
0x1e2: {  	s30 =	sshra.s32 s31, $0x1F;
	v5 =	vsel vm6, s4, v5;
	s29 =	sshrl.u32 s19, $0x1F;
	v6 =	vsel vm2, s25, v6;
	v3 =	vsel vm6, s28, v3  }
0x1e3: {  	s31 =	sshra.s32 s19, $0x12;
	v5 =	vsel vm7, s29, v5;
	v6 =	vcombine.low v7, v6;
	v3 =	vsel vm15, s30, v3  }
0x1e4: {  	v4 =	vperm.xlane v4, v0;
	v5 =	vperm.xlane v5, v1;
	v3 =	vsel vm7, s31, v3  }
0x1e5: {  	v6 =	vperm.xlane v6, v0;
	v3 =	vperm.xlane v3, v1  }
0x1e6: {  	s11 =	sadd.s32 $0x8, s11  }
0x1e7: {  	p0 =	slt.u32 s11, $0xC8;
	v4 =	vsel vm8, v5, v4;
	v3 =	vsel vm8, v3, v6  }
.Ltmp0:
0x1e8: {  	v3 =	vadd.s32 v4, v3;
	(pc) =	sbr.rel @p0 .LBB2_2-.Ltmp0, $3  }
0x1e9: {  	v3 =	vmul.u32 $0xF4240, v3;
	_ =	sdelay $0x1  }
0x1ea: {  	v2 =	vsub.s32 v2, v3  }
0x1eb: {  	[tilespmem:s12+$0x30] =	vst v2;
	s12 =	sadd.s32 $0x80, s12  }
0x1ec: {  	s0 =	simm.s32 $0x0  }
0x1ed: {  	s1 =	rddreg [dreg:$0x4];
	s2 =	simm.s32 $0xD00;
	s29 =	simm.s32 $0x1  }
0x1ee: {  	[tilespmem:s2], [sflag:$0x1] =	stream.indirect.gather [hbm4b:s1+s2], $0x20, s0, s2, $0xb8;
	[tilespmem:$0x1AD00] =	vst v63  }
0x1ef: {  	_ =	swait.ge [sflag:s29], $0x1A000  }
0x1f0: {  	[sflag:s29] =	ssyncset.done $0x0  }
0x1f1: {  	s30 =	rddreg [dreg:$0x6];
	[sflag:s29] =	ssyncadd.s32 $0xFFFE6000  }
0x1f2: {  	[hbm4b:s30+s0] =	stream.linear.scatter [tilespmem:s2], [sflag:$0x2], $0x1A000, $0x38;
	[tilespmem:$0x1AD00] =	vst v63  }
0x1f3: {  	s2 =	simm.s32 $0x2  }
0x1f4: {  	_ =	swait.ge [sflag:s2], $0x1A000  }
0x1f5: {  	s10 =	sadd.s32 $0x1, s10;
	s31 =	rddreg [dreg:$0x7]  }
0x1f6: {  	p0 =	sne.s32 s10, s31  }
.Ltmp1:
0x1f7: {  	_ = 	snop;
	(pc) =	sbr.rel @p0 .LBB2_1-.Ltmp1, $3  }
0x1f8: {  	_ =	sdelay $0x1  }
0x1f9: {  	[sflag:s2] =	ssyncset.done $0x0  }
0x1fa: {  	[sflag:s2] =	ssyncadd.s32 $0xFFFE6000  }
0x1fb: {  	_ =	sfence.sel $0x180000  }
0x1fc: {  	[bflag:$0x0] =	sbarrier.arrive $0xFFFF  }
0x1fd: {  	_ =	strace $0x90000047  }
0x1fe: {  	s0 =	stileid.u32;
	[bflag:$0x2] =	sbarrier.arrive $0xFFFF  }
0x1ff: {  	p0 =	sne.s32 s0, $0x0;
	s0 =	rddreg [dreg:$0x3]  }
0x200: {  	s0 =	sadd.s32 @!p0 $0x100000, s0  }
0x201: {  	[sflag:s0] =	ssyncadd.tile.s32 @!p0 $0x1;
	_ =	shalt  }
.Lfunc_end2:
_tile_overlayer_lowered:
.L_overlay_start_2:
0x202: {  	(tag) =	ssettag $0x2  }
0x203: {  	s0 =	rddreg [dreg:$0x0];
	s2 =	stileid.u32  }
0x204: {  	s1 =	rddreg [dreg:$0x1];
	p0 =	sne.s32 s2, $0x0  }
0x205: {  	s3 =	rddreg [dreg:$0x2];
	[bflag:$0x3] =	sbarrier.arrive $0xFFFF;
	s2 =	simm.s32 @!p0 $0x1C02  }
0x206: {  	[timem:s3], [sflag:s2] =	dma.local @!p0 [hbm:s0], s1  }
0x207: {  	s0 =	simm.s32 @!p0 $0x2  }
0x208: {  	_ =	swait.ge @!p0 [sflag:s0], s1  }
0x209: {  	s1 =	ssub.s32 @!p0 $0x0, s1;
	[sflag:s0] =	ssyncset.done @!p0 $0x0  }
0x20a: {  	[sflag:s0] =	ssyncadd.s32 @!p0 s1  }
0x20b: {  	[bflag:$0x3] =	sbarrier.arrive $0xFFFF  }
0x20c: {  	_ =	shalt  }

</sc_bundles>
